<compile_context>
chip_gen: v7x
topology: tpu7x:2x2x1
jax: 0.10.2.dev20260603
libtpu: 0.0.44.dev20260713+nightly
codegen_flags: <defaults>
</compile_context>

<pallas_src>
import functools

import jax
import jax.numpy as jnp
from jax import lax
from jax.experimental import pallas as pl
from jax.experimental.pallas import tpu as pltpu
from jax.experimental.pallas import tpu_sc as plsc

_N_NODES = 10000
_N_EDGES = 320000
_D = 128

_NC = 2
_NS = 16
_NW = _NC * _NS

_EPT = _N_EDGES // _NW
_CHUNK = 128
_NBUF = 3
_FULL_CHUNKS = _EPT // _CHUNK
_REM = _EPT - _FULL_CHUNKS * _CHUNK
_RING_ITERS = _FULL_CHUNKS // _NBUF

_N_PAD = 10112
_ROWS_PER_TILE = _N_PAD // _NS
_ZROWS = 128


def _sc_scatter_add(gathered_hbm, dst_hbm, out_hbm, acc,
                    f0, f1, f2, i0, i1, i2, idx16_v,
                    sf0, sf1, sf2, si0, si1, si2, sem_z):
  feats = (f0, f1, f2)
  idxs = (i0, i1, i2)
  sem_f = (sf0, sf1, sf2)
  sem_i = (si0, si1, si2)

  c = lax.axis_index("c")
  s = lax.axis_index("s")
  w = c * _NS + s
  base = w * _EPT

  def start_dma(b, k):
    e0 = pl.multiple_of(base + k * _CHUNK, 16)
    pltpu.async_copy(dst_hbm.at[pl.ds(e0, _CHUNK)], idxs[b], sem_i[b])
    pltpu.async_copy(gathered_hbm.at[pl.ds(e0, _CHUNK), 0], feats[b], sem_f[b])

  start_dma(1, 1)
  start_dma(2, 2)

  z = jnp.zeros((16,), jnp.float32)

  def zero_row(r, carry):
    for l in range(_D // 16):
      f0[r, pl.ds(16 * l, 16)] = z
    return carry

  lax.fori_loop(0, _ZROWS, zero_row, 0)
  row0 = s * _ROWS_PER_TILE
  for r in range(0, _ROWS_PER_TILE, _ZROWS):
    n = min(_ZROWS, _ROWS_PER_TILE - r)
    pltpu.async_copy(f0.at[pl.ds(0, n)], acc.at[pl.ds(row0 + r, n)], sem_z)
  for r in range(0, _ROWS_PER_TILE, _ZROWS):
    n = min(_ZROWS, _ROWS_PER_TILE - r)
    pltpu.make_async_copy(f0.at[pl.ds(0, n)], acc.at[pl.ds(row0 + r, n)],
                          sem_z).wait()
  start_dma(0, 0)
  plsc.subcore_barrier()

  def ring(j, carry):
    for t in range(_NBUF):
      k = _NBUF * j + t
      e0 = pl.multiple_of(base + k * _CHUNK, 16)
      pltpu.make_async_copy(dst_hbm.at[pl.ds(e0, _CHUNK)], idxs[t],
                            sem_i[t]).wait()
      pltpu.make_async_copy(gathered_hbm.at[pl.ds(e0, _CHUNK), 0], feats[t],
                            sem_f[t]).wait()
      pltpu.sync_copy(feats[t], acc.at[idxs[t]], add=True)

      @pl.when(k + _NBUF < _FULL_CHUNKS)
      def _(t=t, k=k):
        start_dma(t, k + _NBUF)
    return carry

  lax.fori_loop(0, _RING_ITERS, ring, 0)

  e0 = pl.multiple_of(base + _FULL_CHUNKS * _CHUNK, 8)
  pltpu.sync_copy(dst_hbm.at[pl.ds(e0, _REM)], idx16_v)
  pltpu.sync_copy(gathered_hbm.at[pl.ds(e0, _REM), 0], f0.at[pl.ds(0, _REM)])
  pltpu.sync_copy(f0.at[pl.ds(0, _REM)], acc.at[idx16_v], add=True)

  plsc.subcore_barrier()

  for r in range(0, _ROWS_PER_TILE, _ZROWS):
    n = min(_ZROWS, _ROWS_PER_TILE - r)
    pltpu.async_copy(acc.at[pl.ds(row0 + r, n)],
                     out_hbm.at[c, pl.ds(row0 + r, n)], sem_z)
  for r in range(0, _ROWS_PER_TILE, _ZROWS):
    n = min(_ZROWS, _ROWS_PER_TILE - r)
    pltpu.make_async_copy(acc.at[pl.ds(row0 + r, n)],
                          out_hbm.at[c, pl.ds(row0 + r, n)], sem_z).wait()


def _combine_body(p_ref, o_ref):
  o_ref[...] = p_ref[0] + p_ref[1]


def kernel(node_features, gathered_nodes, edge_list):
  del node_features
  dst = edge_list[:, 1]

  mesh = plsc.VectorSubcoreMesh(core_axis_name="c", subcore_axis_name="s")
  sc = pl.kernel(
      _sc_scatter_add,
      out_type=jax.ShapeDtypeStruct((_NC, _N_PAD, _D), jnp.float32),
      mesh=mesh,
      scratch_types=[
          pltpu.VMEM_SHARED((_N_PAD, _D), jnp.float32),
      ] + [pltpu.VMEM((_CHUNK, _D), jnp.float32)] * _NBUF
        + [pltpu.VMEM((_CHUNK,), jnp.int32)] * _NBUF
        + [pltpu.VMEM((_REM,), jnp.int32)]
        + [pltpu.SemaphoreType.DMA] * (2 * _NBUF + 1),
  )
  partials = sc(gathered_nodes, dst)

  rows_blk = 1000
  out = pl.pallas_call(
      _combine_body,
      out_shape=jax.ShapeDtypeStruct((_N_NODES, _D), jnp.float32),
      grid=(_N_NODES // rows_blk,),
      in_specs=[pl.BlockSpec((_NC, rows_blk, _D), lambda i: (0, i, 0))],
      out_specs=pl.BlockSpec((rows_blk, _D), lambda i: (i, 0)),
  )(partials)
  return out

# --- scband reference (transcript-rebuilt; emitter-appended) ---
"""Pipeline reference for scband-reduce-gathered-nodes-sum-66984309948493 (READ-ONLY COPY).

The authoritative reference and input builder live on the scoring server;
editing this copy changes nothing except your own understanding.
"""

import jax, jax.numpy as jnp
import numpy as np

N_NODES = 10000
N_EDGES = 320000
D_FEAT = 128


def setup_inputs(seed: int = 0) -> dict:
    key = jax.random.key(seed)
    k1, k2, k3 = jax.random.split(key, 3)
    node_features = jax.random.normal(k1, (N_NODES, D_FEAT), dtype=jnp.float32)
    gathered_nodes = jax.random.normal(k2, (N_EDGES, 2, D_FEAT), dtype=jnp.float32)
    edge_list = jax.random.randint(k3, (N_EDGES, 2), 0, N_NODES, dtype=jnp.int32)
    return {"node_features": node_features, "gathered_nodes": gathered_nodes, "edge_list": edge_list}


def reference(node_features, gathered_nodes, edge_list):
    # For each edge (i, j): add gathered_nodes[e, 0] (feature of node j's incoming
    # neighbor) into output row edge_list[e, 1]. keras.ops.scatter is a scatter-ADD
    # into a zeros tensor of the given shape (duplicates accumulate).
    incoming_features = gathered_nodes[:, 0]          # (E, F)
    outgoing_indices = edge_list[:, 1]                # (E,)
    results = jnp.zeros(node_features.shape, dtype=node_features.dtype).at[outgoing_indices].add(incoming_features)
    return results

if __name__ == "__main__":
    import jax
    _d = setup_inputs()
    print(jax.jit(kernel)(*tuple(_d.values())))

</pallas_src>

<mosaic_0001>
#map = affine_map<(d0, d1) -> (0, 0, 0)>
#map1 = affine_map<(d0, d1) -> (0)>
module attributes {stable_mosaic.version = 14 : i64} {
  func.func @_sc_scatter_add(%arg0: i32, %arg1: i32, %arg2: memref<320000x2x128xf32, #tpu.memory_space<hbm>>, %arg3: memref<320000xi32, #tpu.memory_space<hbm>>, %arg4: memref<2x10112x128xf32, #tpu.memory_space<hbm>>, %arg5: memref<10112x128xf32, #tpu.memory_space<vmem_shared>>, %arg6: memref<128x128xf32, #tpu.memory_space<vmem>>, %arg7: memref<128x128xf32, #tpu.memory_space<vmem>>, %arg8: memref<128x128xf32, #tpu.memory_space<vmem>>, %arg9: memref<128xi32, #tpu.memory_space<vmem>>, %arg10: memref<128xi32, #tpu.memory_space<vmem>>, %arg11: memref<128xi32, #tpu.memory_space<vmem>>, %arg12: memref<16xi32, #tpu.memory_space<vmem>>, %arg13: memref<!tpu.dma_semaphore, #tpu.memory_space<semaphore_mem>>, %arg14: memref<!tpu.dma_semaphore, #tpu.memory_space<semaphore_mem>>, %arg15: memref<!tpu.dma_semaphore, #tpu.memory_space<semaphore_mem>>, %arg16: memref<!tpu.dma_semaphore, #tpu.memory_space<semaphore_mem>>, %arg17: memref<!tpu.dma_semaphore, #tpu.memory_space<semaphore_mem>>, %arg18: memref<!tpu.dma_semaphore, #tpu.memory_space<semaphore_mem>>, %arg19: memref<!tpu.dma_semaphore, #tpu.memory_space<semaphore_mem>>) attributes {dimension_semantics = [#tpu.dimension_semantics<core_parallel>, #tpu.dimension_semantics<subcore_parallel>], iteration_bounds = array<i64: 2, 16>, scalar_prefetch = 0 : i64, scratch_operands = 15 : i64, tpu.core_type = #tpu.core_type<sc_vector_subcore>, window_params = [{transform_indices = #map}, {transform_indices = #map1}, {transform_indices = #map}]} {
    %mul3A = arith.constant 16 : i32
    %mul3A_0 = arith.muli %arg0, %mul3A : i32
    %add3A = arith.addi %mul3A_0, %arg1 : i32
    %mul3A_1 = arith.constant 10000 : i32
    %mul3A_2 = arith.muli %add3A, %mul3A_1 : i32
    %add3A_3 = arith.constant 128 : i32
    %add3A_4 = arith.addi %mul3A_2, %add3A_3 : i32
    %multiple_of3A = tpu.assume_multiple %add3A_4, 16 : i32
    %dma_start3A = tpu.memref_slice %arg3[%multiple_of3A] : memref<320000xi32, #tpu.memory_space<hbm>> -> memref<128xi32, #tpu.memory_space<hbm>>
    %dma_start3A_5 = tpu.memref_slice %arg3[%multiple_of3A] : memref<320000xi32, #tpu.memory_space<hbm>> -> memref<128xi32, #tpu.memory_space<hbm>>
    tpu.enqueue_dma source(%dma_start3A_5 : memref<128xi32, #tpu.memory_space<hbm>>) target(%arg10 : memref<128xi32, #tpu.memory_space<vmem>>) target_semaphore(%arg17 : memref<!tpu.dma_semaphore, #tpu.memory_space<semaphore_mem>>)
    %dma_start3A_6 = arith.constant 0 : i32
    %dma_start3A_7 = arith.constant 0 : i32
    %dma_start3A_8 = tpu.memref_slice %arg2[%multiple_of3A, %dma_start3A_6, %dma_start3A_7] : memref<320000x2x128xf32, #tpu.memory_space<hbm>> -> memref<128x1x128xf32, #tpu.memory_space<hbm>>
    %dma_start3A_9 = tpu.memref_squeeze %dma_start3A_8 : memref<128x1x128xf32, #tpu.memory_space<hbm>> -> memref<128x128xf32, #tpu.memory_space<hbm>>
    %dma_start3A_10 = arith.constant 0 : i32
    %dma_start3A_11 = tpu.memref_slice %arg2[%multiple_of3A, %dma_start3A_6, %dma_start3A_10] : memref<320000x2x128xf32, #tpu.memory_space<hbm>> -> memref<128x1x128xf32, #tpu.memory_space<hbm>>
    %dma_start3A_12 = tpu.memref_squeeze %dma_start3A_11 : memref<128x1x128xf32, #tpu.memory_space<hbm>> -> memref<128x128xf32, #tpu.memory_space<hbm>>
    tpu.enqueue_dma source(%dma_start3A_12 : memref<128x128xf32, #tpu.memory_space<hbm>>) target(%arg7 : memref<128x128xf32, #tpu.memory_space<vmem>>) target_semaphore(%arg14 : memref<!tpu.dma_semaphore, #tpu.memory_space<semaphore_mem>>)
    %add3A_13 = arith.constant 256 : i32
    %add3A_14 = arith.addi %mul3A_2, %add3A_13 : i32
    %multiple_of3A_15 = tpu.assume_multiple %add3A_14, 16 : i32
    %dma_start3A_16 = tpu.memref_slice %arg3[%multiple_of3A_15] : memref<320000xi32, #tpu.memory_space<hbm>> -> memref<128xi32, #tpu.memory_space<hbm>>
    %dma_start3A_17 = tpu.memref_slice %arg3[%multiple_of3A_15] : memref<320000xi32, #tpu.memory_space<hbm>> -> memref<128xi32, #tpu.memory_space<hbm>>
    tpu.enqueue_dma source(%dma_start3A_17 : memref<128xi32, #tpu.memory_space<hbm>>) target(%arg11 : memref<128xi32, #tpu.memory_space<vmem>>) target_semaphore(%arg18 : memref<!tpu.dma_semaphore, #tpu.memory_space<semaphore_mem>>)
    %dma_start3A_18 = arith.constant 0 : i32
    %dma_start3A_19 = arith.constant 0 : i32
    %dma_start3A_20 = tpu.memref_slice %arg2[%multiple_of3A_15, %dma_start3A_18, %dma_start3A_19] : memref<320000x2x128xf32, #tpu.memory_space<hbm>> -> memref<128x1x128xf32, #tpu.memory_space<hbm>>
    %dma_start3A_21 = tpu.memref_squeeze %dma_start3A_20 : memref<128x1x128xf32, #tpu.memory_space<hbm>> -> memref<128x128xf32, #tpu.memory_space<hbm>>
    %dma_start3A_22 = arith.constant 0 : i32
    %dma_start3A_23 = tpu.memref_slice %arg2[%multiple_of3A_15, %dma_start3A_18, %dma_start3A_22] : memref<320000x2x128xf32, #tpu.memory_space<hbm>> -> memref<128x1x128xf32, #tpu.memory_space<hbm>>
    %dma_start3A_24 = tpu.memref_squeeze %dma_start3A_23 : memref<128x1x128xf32, #tpu.memory_space<hbm>> -> memref<128x128xf32, #tpu.memory_space<hbm>>
    tpu.enqueue_dma source(%dma_start3A_24 : memref<128x128xf32, #tpu.memory_space<hbm>>) target(%arg8 : memref<128x128xf32, #tpu.memory_space<vmem>>) target_semaphore(%arg15 : memref<!tpu.dma_semaphore, #tpu.memory_space<semaphore_mem>>)
    %broadcast_in_dim3A = arith.constant 0.000000e+00 : f32
    %broadcast_in_dim3A_25 = vector.broadcast %broadcast_in_dim3A : f32 to vector<16xf32>
    %scan3A = arith.constant 0 : i32
    %scan3A_26 = arith.constant 0 : i32
    %scan3A_27 = arith.constant 128 : i32
    %scan3A_28 = arith.addi %scan3A_26, %scan3A_27 : i32
    %scan3A_29 = arith.constant 1 : i32
    scf.for %scan3A_264 = %scan3A_26 to %scan3A_28 step %scan3A_29  : i32 {
      %swap3A = arith.index_cast %scan3A_264 : i32 to index
      %swap3A_265 = arith.constant 0 : index
      %swap3A_266 = tpu.vector_load %arg6[%swap3A, %swap3A_265] {strides = array<i32>} : memref<128x128xf32, #tpu.memory_space<vmem>>, vector<1x16xf32>,
      %swap3A_267 = vector.shape_cast %swap3A_266 : vector<1x16xf32> to vector<16xf32>
      %swap3A_268 = vector.shape_cast %broadcast_in_dim3A_25 : vector<16xf32> to vector<1x16xf32>
      tpu.vector_store %arg6[%swap3A, %swap3A_265], %swap3A_268 {strides = array<i32>} : memref<128x128xf32, #tpu.memory_space<vmem>>, vector<1x16xf32>,
      %swap3A_269 = arith.index_cast %scan3A_264 : i32 to index
      %swap3A_270 = arith.constant 16 : index
      %swap3A_271 = tpu.vector_load %arg6[%swap3A_269, %swap3A_270] {strides = array<i32>} : memref<128x128xf32, #tpu.memory_space<vmem>>, vector<1x16xf32>,
      %swap3A_272 = vector.shape_cast %swap3A_271 : vector<1x16xf32> to vector<16xf32>
      %swap3A_273 = vector.shape_cast %broadcast_in_dim3A_25 : vector<16xf32> to vector<1x16xf32>
      tpu.vector_store %arg6[%swap3A_269, %swap3A_270], %swap3A_273 {strides = array<i32>} : memref<128x128xf32, #tpu.memory_space<vmem>>, vector<1x16xf32>,
      %swap3A_274 = arith.index_cast %scan3A_264 : i32 to index
      %swap3A_275 = arith.constant 32 : index
      %swap3A_276 = tpu.vector_load %arg6[%swap3A_274, %swap3A_275] {strides = array<i32>} : memref<128x128xf32, #tpu.memory_space<vmem>>, vector<1x16xf32>,
      %swap3A_277 = vector.shape_cast %swap3A_276 : vector<1x16xf32> to vector<16xf32>
      %swap3A_278 = vector.shape_cast %broadcast_in_dim3A_25 : vector<16xf32> to vector<1x16xf32>
      tpu.vector_store %arg6[%swap3A_274, %swap3A_275], %swap3A_278 {strides = array<i32>} : memref<128x128xf32, #tpu.memory_space<vmem>>, vector<1x16xf32>,
      %swap3A_279 = arith.index_cast %scan3A_264 : i32 to index
      %swap3A_280 = arith.constant 48 : index
      %swap3A_281 = tpu.vector_load %arg6[%swap3A_279, %swap3A_280] {strides = array<i32>} : memref<128x128xf32, #tpu.memory_space<vmem>>, vector<1x16xf32>,
      %swap3A_282 = vector.shape_cast %swap3A_281 : vector<1x16xf32> to vector<16xf32>
      %swap3A_283 = vector.shape_cast %broadcast_in_dim3A_25 : vector<16xf32> to vector<1x16xf32>
      tpu.vector_store %arg6[%swap3A_279, %swap3A_280], %swap3A_283 {strides = array<i32>} : memref<128x128xf32, #tpu.memory_space<vmem>>, vector<1x16xf32>,
      %swap3A_284 = arith.index_cast %scan3A_264 : i32 to index
      %swap3A_285 = arith.constant 64 : index
      %swap3A_286 = tpu.vector_load %arg6[%swap3A_284, %swap3A_285] {strides = array<i32>} : memref<128x128xf32, #tpu.memory_space<vmem>>, vector<1x16xf32>,
      %swap3A_287 = vector.shape_cast %swap3A_286 : vector<1x16xf32> to vector<16xf32>
      %swap3A_288 = vector.shape_cast %broadcast_in_dim3A_25 : vector<16xf32> to vector<1x16xf32>
      tpu.vector_store %arg6[%swap3A_284, %swap3A_285], %swap3A_288 {strides = array<i32>} : memref<128x128xf32, #tpu.memory_space<vmem>>, vector<1x16xf32>,
      %swap3A_289 = arith.index_cast %scan3A_264 : i32 to index
      %swap3A_290 = arith.constant 80 : index
      %swap3A_291 = tpu.vector_load %arg6[%swap3A_289, %swap3A_290] {strides = array<i32>} : memref<128x128xf32, #tpu.memory_space<vmem>>, vector<1x16xf32>,
      %swap3A_292 = vector.shape_cast %swap3A_291 : vector<1x16xf32> to vector<16xf32>
      %swap3A_293 = vector.shape_cast %broadcast_in_dim3A_25 : vector<16xf32> to vector<1x16xf32>
      tpu.vector_store %arg6[%swap3A_289, %swap3A_290], %swap3A_293 {strides = array<i32>} : memref<128x128xf32, #tpu.memory_space<vmem>>, vector<1x16xf32>,
      %swap3A_294 = arith.index_cast %scan3A_264 : i32 to index
      %swap3A_295 = arith.constant 96 : index
      %swap3A_296 = tpu.vector_load %arg6[%swap3A_294, %swap3A_295] {strides = array<i32>} : memref<128x128xf32, #tpu.memory_space<vmem>>, vector<1x16xf32>,
      %swap3A_297 = vector.shape_cast %swap3A_296 : vector<1x16xf32> to vector<16xf32>
      %swap3A_298 = vector.shape_cast %broadcast_in_dim3A_25 : vector<16xf32> to vector<1x16xf32>
      tpu.vector_store %arg6[%swap3A_294, %swap3A_295], %swap3A_298 {strides = array<i32>} : memref<128x128xf32, #tpu.memory_space<vmem>>, vector<1x16xf32>,
      %swap3A_299 = arith.index_cast %scan3A_264 : i32 to index
      %swap3A_300 = arith.constant 112 : index
      %swap3A_301 = tpu.vector_load %arg6[%swap3A_299, %swap3A_300] {strides = array<i32>} : memref<128x128xf32, #tpu.memory_space<vmem>>, vector<1x16xf32>,
      %swap3A_302 = vector.shape_cast %swap3A_301 : vector<1x16xf32> to vector<16xf32>
      %swap3A_303 = vector.shape_cast %broadcast_in_dim3A_25 : vector<16xf32> to vector<1x16xf32>
      tpu.vector_store %arg6[%swap3A_299, %swap3A_300], %swap3A_303 {strides = array<i32>} : memref<128x128xf32, #tpu.memory_space<vmem>>, vector<1x16xf32>,
    }
    %scan3A_30 = arith.constant 128 : i32
    %mul3A_31 = arith.constant 632 : i32
    %mul3A_32 = arith.muli %arg1, %mul3A_31 : i32
    %add3A_33 = arith.constant 0 : i32
    %add3A_34 = arith.addi %mul3A_32, %add3A_33 : i32
    %dma_start3A_35 = arith.constant 0 : i32
    %dma_start3A_36 = arith.constant 0 : i32
    %dma_start3A_37 = tpu.memref_slice %arg6[%dma_start3A_35, %dma_start3A_36] : memref<128x128xf32, #tpu.memory_space<vmem>> -> memref<128x128xf32, #tpu.memory_space<vmem>>
    %dma_start3A_38 = arith.constant 0 : i32
    %dma_start3A_39 = tpu.memref_slice %arg5[%add3A_34, %dma_start3A_38] : memref<10112x128xf32, #tpu.memory_space<vmem_shared>> -> memref<128x128xf32, #tpu.memory_space<vmem_shared>>
    %dma_start3A_40 = arith.constant 0 : i32
    %dma_start3A_41 = tpu.memref_slice %arg5[%add3A_34, %dma_start3A_40] : memref<10112x128xf32, #tpu.memory_space<vmem_shared>> -> memref<128x128xf32, #tpu.memory_space<vmem_shared>>
    %dma_start3A_42 = arith.constant 0 : i32
    %dma_start3A_43 = arith.constant 0 : i32
    %dma_start3A_44 = tpu.memref_slice %arg6[%dma_start3A_42, %dma_start3A_43] : memref<128x128xf32, #tpu.memory_space<vmem>> -> memref<128x128xf32, #tpu.memory_space<vmem>>
    tpu.enqueue_dma source(%dma_start3A_44 : memref<128x128xf32, #tpu.memory_space<vmem>>) target(%dma_start3A_41 : memref<128x128xf32, #tpu.memory_space<vmem_shared>>) target_semaphore(%arg19 : memref<!tpu.dma_semaphore, #tpu.memory_space<semaphore_mem>>)
    %add3A_45 = arith.constant 128 : i32
    %add3A_46 = arith.addi %mul3A_32, %add3A_45 : i32
    %dma_start3A_47 = arith.constant 0 : i32
    %dma_start3A_48 = arith.constant 0 : i32
    %dma_start3A_49 = tpu.memref_slice %arg6[%dma_start3A_47, %dma_start3A_48] : memref<128x128xf32, #tpu.memory_space<vmem>> -> memref<128x128xf32, #tpu.memory_space<vmem>>
    %dma_start3A_50 = arith.constant 0 : i32
    %dma_start3A_51 = tpu.memref_slice %arg5[%add3A_46, %dma_start3A_50] : memref<10112x128xf32, #tpu.memory_space<vmem_shared>> -> memref<128x128xf32, #tpu.memory_space<vmem_shared>>
    %dma_start3A_52 = arith.constant 0 : i32
    %dma_start3A_53 = tpu.memref_slice %arg5[%add3A_46, %dma_start3A_52] : memref<10112x128xf32, #tpu.memory_space<vmem_shared>> -> memref<128x128xf32, #tpu.memory_space<vmem_shared>>
    %dma_start3A_54 = arith.constant 0 : i32
    %dma_start3A_55 = arith.constant 0 : i32
    %dma_start3A_56 = tpu.memref_slice %arg6[%dma_start3A_54, %dma_start3A_55] : memref<128x128xf32, #tpu.memory_space<vmem>> -> memref<128x128xf32, #tpu.memory_space<vmem>>
    tpu.enqueue_dma source(%dma_start3A_56 : memref<128x128xf32, #tpu.memory_space<vmem>>) target(%dma_start3A_53 : memref<128x128xf32, #tpu.memory_space<vmem_shared>>) target_semaphore(%arg19 : memref<!tpu.dma_semaphore, #tpu.memory_space<semaphore_mem>>)
    %add3A_57 = arith.constant 256 : i32
    %add3A_58 = arith.addi %mul3A_32, %add3A_57 : i32
    %dma_start3A_59 = arith.constant 0 : i32
    %dma_start3A_60 = arith.constant 0 : i32
    %dma_start3A_61 = tpu.memref_slice %arg6[%dma_start3A_59, %dma_start3A_60] : memref<128x128xf32, #tpu.memory_space<vmem>> -> memref<128x128xf32, #tpu.memory_space<vmem>>
    %dma_start3A_62 = arith.constant 0 : i32
    %dma_start3A_63 = tpu.memref_slice %arg5[%add3A_58, %dma_start3A_62] : memref<10112x128xf32, #tpu.memory_space<vmem_shared>> -> memref<128x128xf32, #tpu.memory_space<vmem_shared>>
    %dma_start3A_64 = arith.constant 0 : i32
    %dma_start3A_65 = tpu.memref_slice %arg5[%add3A_58, %dma_start3A_64] : memref<10112x128xf32, #tpu.memory_space<vmem_shared>> -> memref<128x128xf32, #tpu.memory_space<vmem_shared>>
    %dma_start3A_66 = arith.constant 0 : i32
    %dma_start3A_67 = arith.constant 0 : i32
    %dma_start3A_68 = tpu.memref_slice %arg6[%dma_start3A_66, %dma_start3A_67] : memref<128x128xf32, #tpu.memory_space<vmem>> -> memref<128x128xf32, #tpu.memory_space<vmem>>
    tpu.enqueue_dma source(%dma_start3A_68 : memref<128x128xf32, #tpu.memory_space<vmem>>) target(%dma_start3A_65 : memref<128x128xf32, #tpu.memory_space<vmem_shared>>) target_semaphore(%arg19 : memref<!tpu.dma_semaphore, #tpu.memory_space<semaphore_mem>>)
    %add3A_69 = arith.constant 384 : i32
    %add3A_70 = arith.addi %mul3A_32, %add3A_69 : i32
    %dma_start3A_71 = arith.constant 0 : i32
    %dma_start3A_72 = arith.constant 0 : i32
    %dma_start3A_73 = tpu.memref_slice %arg6[%dma_start3A_71, %dma_start3A_72] : memref<128x128xf32, #tpu.memory_space<vmem>> -> memref<128x128xf32, #tpu.memory_space<vmem>>
    %dma_start3A_74 = arith.constant 0 : i32
    %dma_start3A_75 = tpu.memref_slice %arg5[%add3A_70, %dma_start3A_74] : memref<10112x128xf32, #tpu.memory_space<vmem_shared>> -> memref<128x128xf32, #tpu.memory_space<vmem_shared>>
    %dma_start3A_76 = arith.constant 0 : i32
    %dma_start3A_77 = tpu.memref_slice %arg5[%add3A_70, %dma_start3A_76] : memref<10112x128xf32, #tpu.memory_space<vmem_shared>> -> memref<128x128xf32, #tpu.memory_space<vmem_shared>>
    %dma_start3A_78 = arith.constant 0 : i32
    %dma_start3A_79 = arith.constant 0 : i32
    %dma_start3A_80 = tpu.memref_slice %arg6[%dma_start3A_78, %dma_start3A_79] : memref<128x128xf32, #tpu.memory_space<vmem>> -> memref<128x128xf32, #tpu.memory_space<vmem>>
    tpu.enqueue_dma source(%dma_start3A_80 : memref<128x128xf32, #tpu.memory_space<vmem>>) target(%dma_start3A_77 : memref<128x128xf32, #tpu.memory_space<vmem_shared>>) target_semaphore(%arg19 : memref<!tpu.dma_semaphore, #tpu.memory_space<semaphore_mem>>)
    %add3A_81 = arith.constant 512 : i32
    %add3A_82 = arith.addi %mul3A_32, %add3A_81 : i32
    %dma_start3A_83 = arith.constant 0 : i32
    %dma_start3A_84 = arith.constant 0 : i32
    %dma_start3A_85 = tpu.memref_slice %arg6[%dma_start3A_83, %dma_start3A_84] : memref<128x128xf32, #tpu.memory_space<vmem>> -> memref<120x128xf32, #tpu.memory_space<vmem>>
    %dma_start3A_86 = arith.constant 0 : i32
    %dma_start3A_87 = tpu.memref_slice %arg5[%add3A_82, %dma_start3A_86] : memref<10112x128xf32, #tpu.memory_space<vmem_shared>> -> memref<120x128xf32, #tpu.memory_space<vmem_shared>>
    %dma_start3A_88 = arith.constant 0 : i32
    %dma_start3A_89 = tpu.memref_slice %arg5[%add3A_82, %dma_start3A_88] : memref<10112x128xf32, #tpu.memory_space<vmem_shared>> -> memref<120x128xf32, #tpu.memory_space<vmem_shared>>
    %dma_start3A_90 = arith.constant 0 : i32
    %dma_start3A_91 = arith.constant 0 : i32
    %dma_start3A_92 = tpu.memref_slice %arg6[%dma_start3A_90, %dma_start3A_91] : memref<128x128xf32, #tpu.memory_space<vmem>> -> memref<120x128xf32, #tpu.memory_space<vmem>>
    tpu.enqueue_dma source(%dma_start3A_92 : memref<120x128xf32, #tpu.memory_space<vmem>>) target(%dma_start3A_89 : memref<120x128xf32, #tpu.memory_space<vmem_shared>>) target_semaphore(%arg19 : memref<!tpu.dma_semaphore, #tpu.memory_space<semaphore_mem>>)
    %add3A_93 = arith.constant 0 : i32
    %add3A_94 = arith.addi %mul3A_32, %add3A_93 : i32
    %dma_wait3A = arith.constant 0 : i32
    %dma_wait3A_95 = arith.constant 0 : i32
    %dma_wait3A_96 = tpu.memref_slice %arg6[%dma_wait3A, %dma_wait3A_95] : memref<128x128xf32, #tpu.memory_space<vmem>> -> memref<128x128xf32, #tpu.memory_space<vmem>>
    %dma_wait3A_97 = arith.constant 0 : i32
    %dma_wait3A_98 = tpu.memref_slice %arg5[%add3A_94, %dma_wait3A_97] : memref<10112x128xf32, #tpu.memory_space<vmem_shared>> -> memref<128x128xf32, #tpu.memory_space<vmem_shared>>
    %dma_wait3A_99 = arith.constant 0 : i32
    %dma_wait3A_100 = tpu.memref_slice %arg5[%add3A_94, %dma_wait3A_99] : memref<10112x128xf32, #tpu.memory_space<vmem_shared>> -> memref<128x128xf32, #tpu.memory_space<vmem_shared>>
    %dma_wait3A_101 = arith.constant 0 : i32
    %dma_wait3A_102 = arith.constant 0 : i32
    %dma_wait3A_103 = tpu.memref_slice %arg6[%dma_wait3A_101, %dma_wait3A_102] : memref<128x128xf32, #tpu.memory_space<vmem>> -> memref<128x128xf32, #tpu.memory_space<vmem>>
    tpu.wait_dma2 semaphore(%arg19 : memref<!tpu.dma_semaphore, #tpu.memory_space<semaphore_mem>>) src(%dma_wait3A_103 : memref<128x128xf32, #tpu.memory_space<vmem>>) dst(%dma_wait3A_100 : memref<128x128xf32, #tpu.memory_space<vmem_shared>>)
    %add3A_104 = arith.constant 128 : i32
    %add3A_105 = arith.addi %mul3A_32, %add3A_104 : i32
    %dma_wait3A_106 = arith.constant 0 : i32
    %dma_wait3A_107 = arith.constant 0 : i32
    %dma_wait3A_108 = tpu.memref_slice %arg6[%dma_wait3A_106, %dma_wait3A_107] : memref<128x128xf32, #tpu.memory_space<vmem>> -> memref<128x128xf32, #tpu.memory_space<vmem>>
    %dma_wait3A_109 = arith.constant 0 : i32
    %dma_wait3A_110 = tpu.memref_slice %arg5[%add3A_105, %dma_wait3A_109] : memref<10112x128xf32, #tpu.memory_space<vmem_shared>> -> memref<128x128xf32, #tpu.memory_space<vmem_shared>>
    %dma_wait3A_111 = arith.constant 0 : i32
    %dma_wait3A_112 = tpu.memref_slice %arg5[%add3A_105, %dma_wait3A_111] : memref<10112x128xf32, #tpu.memory_space<vmem_shared>> -> memref<128x128xf32, #tpu.memory_space<vmem_shared>>
    %dma_wait3A_113 = arith.constant 0 : i32
    %dma_wait3A_114 = arith.constant 0 : i32
    %dma_wait3A_115 = tpu.memref_slice %arg6[%dma_wait3A_113, %dma_wait3A_114] : memref<128x128xf32, #tpu.memory_space<vmem>> -> memref<128x128xf32, #tpu.memory_space<vmem>>
    tpu.wait_dma2 semaphore(%arg19 : memref<!tpu.dma_semaphore, #tpu.memory_space<semaphore_mem>>) src(%dma_wait3A_115 : memref<128x128xf32, #tpu.memory_space<vmem>>) dst(%dma_wait3A_112 : memref<128x128xf32, #tpu.memory_space<vmem_shared>>)
    %add3A_116 = arith.constant 256 : i32
    %add3A_117 = arith.addi %mul3A_32, %add3A_116 : i32
    %dma_wait3A_118 = arith.constant 0 : i32
    %dma_wait3A_119 = arith.constant 0 : i32
    %dma_wait3A_120 = tpu.memref_slice %arg6[%dma_wait3A_118, %dma_wait3A_119] : memref<128x128xf32, #tpu.memory_space<vmem>> -> memref<128x128xf32, #tpu.memory_space<vmem>>
    %dma_wait3A_121 = arith.constant 0 : i32
    %dma_wait3A_122 = tpu.memref_slice %arg5[%add3A_117, %dma_wait3A_121] : memref<10112x128xf32, #tpu.memory_space<vmem_shared>> -> memref<128x128xf32, #tpu.memory_space<vmem_shared>>
    %dma_wait3A_123 = arith.constant 0 : i32
    %dma_wait3A_124 = tpu.memref_slice %arg5[%add3A_117, %dma_wait3A_123] : memref<10112x128xf32, #tpu.memory_space<vmem_shared>> -> memref<128x128xf32, #tpu.memory_space<vmem_shared>>
    %dma_wait3A_125 = arith.constant 0 : i32
    %dma_wait3A_126 = arith.constant 0 : i32
    %dma_wait3A_127 = tpu.memref_slice %arg6[%dma_wait3A_125, %dma_wait3A_126] : memref<128x128xf32, #tpu.memory_space<vmem>> -> memref<128x128xf32, #tpu.memory_space<vmem>>
    tpu.wait_dma2 semaphore(%arg19 : memref<!tpu.dma_semaphore, #tpu.memory_space<semaphore_mem>>) src(%dma_wait3A_127 : memref<128x128xf32, #tpu.memory_space<vmem>>) dst(%dma_wait3A_124 : memref<128x128xf32, #tpu.memory_space<vmem_shared>>)
    %add3A_128 = arith.constant 384 : i32
    %add3A_129 = arith.addi %mul3A_32, %add3A_128 : i32
    %dma_wait3A_130 = arith.constant 0 : i32
    %dma_wait3A_131 = arith.constant 0 : i32
    %dma_wait3A_132 = tpu.memref_slice %arg6[%dma_wait3A_130, %dma_wait3A_131] : memref<128x128xf32, #tpu.memory_space<vmem>> -> memref<128x128xf32, #tpu.memory_space<vmem>>
    %dma_wait3A_133 = arith.constant 0 : i32
    %dma_wait3A_134 = tpu.memref_slice %arg5[%add3A_129, %dma_wait3A_133] : memref<10112x128xf32, #tpu.memory_space<vmem_shared>> -> memref<128x128xf32, #tpu.memory_space<vmem_shared>>
    %dma_wait3A_135 = arith.constant 0 : i32
    %dma_wait3A_136 = tpu.memref_slice %arg5[%add3A_129, %dma_wait3A_135] : memref<10112x128xf32, #tpu.memory_space<vmem_shared>> -> memref<128x128xf32, #tpu.memory_space<vmem_shared>>
    %dma_wait3A_137 = arith.constant 0 : i32
    %dma_wait3A_138 = arith.constant 0 : i32
    %dma_wait3A_139 = tpu.memref_slice %arg6[%dma_wait3A_137, %dma_wait3A_138] : memref<128x128xf32, #tpu.memory_space<vmem>> -> memref<128x128xf32, #tpu.memory_space<vmem>>
    tpu.wait_dma2 semaphore(%arg19 : memref<!tpu.dma_semaphore, #tpu.memory_space<semaphore_mem>>) src(%dma_wait3A_139 : memref<128x128xf32, #tpu.memory_space<vmem>>) dst(%dma_wait3A_136 : memref<128x128xf32, #tpu.memory_space<vmem_shared>>)
    %add3A_140 = arith.constant 512 : i32
    %add3A_141 = arith.addi %mul3A_32, %add3A_140 : i32
    %dma_wait3A_142 = arith.constant 0 : i32
    %dma_wait3A_143 = arith.constant 0 : i32
    %dma_wait3A_144 = tpu.memref_slice %arg6[%dma_wait3A_142, %dma_wait3A_143] : memref<128x128xf32, #tpu.memory_space<vmem>> -> memref<120x128xf32, #tpu.memory_space<vmem>>
    %dma_wait3A_145 = arith.constant 0 : i32
    %dma_wait3A_146 = tpu.memref_slice %arg5[%add3A_141, %dma_wait3A_145] : memref<10112x128xf32, #tpu.memory_space<vmem_shared>> -> memref<120x128xf32, #tpu.memory_space<vmem_shared>>
    %dma_wait3A_147 = arith.constant 0 : i32
    %dma_wait3A_148 = tpu.memref_slice %arg5[%add3A_141, %dma_wait3A_147] : memref<10112x128xf32, #tpu.memory_space<vmem_shared>> -> memref<120x128xf32, #tpu.memory_space<vmem_shared>>
    %dma_wait3A_149 = arith.constant 0 : i32
    %dma_wait3A_150 = arith.constant 0 : i32
    %dma_wait3A_151 = tpu.memref_slice %arg6[%dma_wait3A_149, %dma_wait3A_150] : memref<128x128xf32, #tpu.memory_space<vmem>> -> memref<120x128xf32, #tpu.memory_space<vmem>>
    tpu.wait_dma2 semaphore(%arg19 : memref<!tpu.dma_semaphore, #tpu.memory_space<semaphore_mem>>) src(%dma_wait3A_151 : memref<120x128xf32, #tpu.memory_space<vmem>>) dst(%dma_wait3A_148 : memref<120x128xf32, #tpu.memory_space<vmem_shared>>)
    %add3A_152 = arith.constant 0 : i32
    %add3A_153 = arith.addi %mul3A_2, %add3A_152 : i32
    %multiple_of3A_154 = tpu.assume_multiple %add3A_153, 16 : i32
    %dma_start3A_155 = tpu.memref_slice %arg3[%multiple_of3A_154] : memref<320000xi32, #tpu.memory_space<hbm>> -> memref<128xi32, #tpu.memory_space<hbm>>
    %dma_start3A_156 = tpu.memref_slice %arg3[%multiple_of3A_154] : memref<320000xi32, #tpu.memory_space<hbm>> -> memref<128xi32, #tpu.memory_space<hbm>>
    tpu.enqueue_dma source(%dma_start3A_156 : memref<128xi32, #tpu.memory_space<hbm>>) target(%arg9 : memref<128xi32, #tpu.memory_space<vmem>>) target_semaphore(%arg16 : memref<!tpu.dma_semaphore, #tpu.memory_space<semaphore_mem>>)
    %dma_start3A_157 = arith.constant 0 : i32
    %dma_start3A_158 = arith.constant 0 : i32
    %dma_start3A_159 = tpu.memref_slice %arg2[%multiple_of3A_154, %dma_start3A_157, %dma_start3A_158] : memref<320000x2x128xf32, #tpu.memory_space<hbm>> -> memref<128x1x128xf32, #tpu.memory_space<hbm>>
    %dma_start3A_160 = tpu.memref_squeeze %dma_start3A_159 : memref<128x1x128xf32, #tpu.memory_space<hbm>> -> memref<128x128xf32, #tpu.memory_space<hbm>>
    %dma_start3A_161 = arith.constant 0 : i32
    %dma_start3A_162 = tpu.memref_slice %arg2[%multiple_of3A_154, %dma_start3A_157, %dma_start3A_161] : memref<320000x2x128xf32, #tpu.memory_space<hbm>> -> memref<128x1x128xf32, #tpu.memory_space<hbm>>
    %dma_start3A_163 = tpu.memref_squeeze %dma_start3A_162 : memref<128x1x128xf32, #tpu.memory_space<hbm>> -> memref<128x128xf32, #tpu.memory_space<hbm>>
    tpu.enqueue_dma source(%dma_start3A_163 : memref<128x128xf32, #tpu.memory_space<hbm>>) target(%arg6 : memref<128x128xf32, #tpu.memory_space<vmem>>) target_semaphore(%arg13 : memref<!tpu.dma_semaphore, #tpu.memory_space<semaphore_mem>>)
    %barrier3A = arith.constant 0 : index
    tpu.barrier barrier_id(%barrier3A)
    %scan3A_164 = arith.constant 0 : i32
    %scan3A_165 = arith.constant 0 : i32
    %scan3A_166 = arith.constant 26 : i32
    %scan3A_167 = arith.addi %scan3A_165, %scan3A_166 : i32
    %scan3A_168 = arith.constant 1 : i32
    scf.for %scan3A_264 = %scan3A_165 to %scan3A_167 step %scan3A_168  : i32 {
      %mul3A_265 = arith.constant 3 : i32
      %mul3A_266 = arith.muli %mul3A_265, %scan3A_264 : i32
      %add3A_267 = arith.constant 0 : i32
      %add3A_268 = arith.addi %mul3A_266, %add3A_267 : i32
      %mul3A_269 = arith.constant 128 : i32
      %mul3A_270 = arith.muli %add3A_268, %mul3A_269 : i32
      %add3A_271 = arith.addi %mul3A_2, %mul3A_270 : i32
      %multiple_of3A_272 = tpu.assume_multiple %add3A_271, 16 : i32
      %dma_wait3A_273 = tpu.memref_slice %arg3[%multiple_of3A_272] : memref<320000xi32, #tpu.memory_space<hbm>> -> memref<128xi32, #tpu.memory_space<hbm>>
      %dma_wait3A_274 = tpu.memref_slice %arg3[%multiple_of3A_272] : memref<320000xi32, #tpu.memory_space<hbm>> -> memref<128xi32, #tpu.memory_space<hbm>>
      tpu.wait_dma2 semaphore(%arg16 : memref<!tpu.dma_semaphore, #tpu.memory_space<semaphore_mem>>) src(%dma_wait3A_274 : memref<128xi32, #tpu.memory_space<hbm>>) dst(%arg9 : memref<128xi32, #tpu.memory_space<vmem>>)
      %dma_wait3A_275 = arith.constant 0 : i32
      %dma_wait3A_276 = arith.constant 0 : i32
      %dma_wait3A_277 = tpu.memref_slice %arg2[%multiple_of3A_272, %dma_wait3A_275, %dma_wait3A_276] : memref<320000x2x128xf32, #tpu.memory_space<hbm>> -> memref<128x1x128xf32, #tpu.memory_space<hbm>>
      %dma_wait3A_278 = tpu.memref_squeeze %dma_wait3A_277 : memref<128x1x128xf32, #tpu.memory_space<hbm>> -> memref<128x128xf32, #tpu.memory_space<hbm>>
      %dma_wait3A_279 = arith.constant 0 : i32
      %dma_wait3A_280 = tpu.memref_slice %arg2[%multiple_of3A_272, %dma_wait3A_275, %dma_wait3A_279] : memref<320000x2x128xf32, #tpu.memory_space<hbm>> -> memref<128x1x128xf32, #tpu.memory_space<hbm>>
      %dma_wait3A_281 = tpu.memref_squeeze %dma_wait3A_280 : memref<128x1x128xf32, #tpu.memory_space<hbm>> -> memref<128x128xf32, #tpu.memory_space<hbm>>
      tpu.wait_dma2 semaphore(%arg13 : memref<!tpu.dma_semaphore, #tpu.memory_space<semaphore_mem>>) src(%dma_wait3A_281 : memref<128x128xf32, #tpu.memory_space<hbm>>) dst(%arg6 : memref<128x128xf32, #tpu.memory_space<vmem>>)
      "tpu.region"() ({
        %run_scoped3A_334 = tpu.sem_alloc : memref<!tpu.dma_semaphore, #tpu.memory_space<semaphore_mem>>
        %dma_start3A_335 = arith.constant 0 : i32
        %dma_start3A_336 = arith.constant 0 : i32
        %dma_start3A_337 = tpu.memref_slice %arg5[%dma_start3A_335, %dma_start3A_336] : memref<10112x128xf32, #tpu.memory_space<vmem_shared>> -> memref<10112x128xf32, #tpu.memory_space<vmem_shared>>
        tpu.enqueue_indirect_dma source(%arg6 : memref<128x128xf32, #tpu.memory_space<vmem>>) target(%dma_start3A_337 : memref<10112x128xf32, #tpu.memory_space<vmem_shared>>) offsets(%arg9 : memref<128xi32, #tpu.memory_space<vmem>>) semaphore(%run_scoped3A_334 : memref<!tpu.dma_semaphore, #tpu.memory_space<semaphore_mem>>) {add = true}
        %dma_wait3A_338 = arith.constant 0 : i32
        %dma_wait3A_339 = arith.constant 0 : i32
        %dma_wait3A_340 = tpu.memref_slice %arg5[%dma_wait3A_338, %dma_wait3A_339] : memref<10112x128xf32, #tpu.memory_space<vmem_shared>> -> memref<10112x128xf32, #tpu.memory_space<vmem_shared>>
        tpu.wait_indirect_dma semaphore(%run_scoped3A_334 : memref<!tpu.dma_semaphore, #tpu.memory_space<semaphore_mem>>) src(%arg6 : memref<128x128xf32, #tpu.memory_space<vmem>>) dst(%dma_wait3A_340 : memref<10112x128xf32, #tpu.memory_space<vmem_shared>>)
        tpu.yield
      }) : () -> ()
      %add3A_282 = arith.constant 3 : i32
      %add3A_283 = arith.addi %add3A_268, %add3A_282 : i32
      %lt3A = arith.constant 78 : i32
      %lt3A_284 = arith.cmpi slt, %add3A_283, %lt3A : i32
      %convert_element_type3A = arith.extui %lt3A_284 : i1 to i32
      %cond3A = arith.constant 0 : i32
      %cond3A_285 = arith.cmpi ne, %convert_element_type3A, %cond3A : i32
      scf.if %cond3A_285 {
        %add3A_334 = arith.constant 3 : i32
        %add3A_335 = arith.addi %add3A_268, %add3A_334 : i32
        %mul3A_336 = arith.constant 128 : i32
        %mul3A_337 = arith.muli %add3A_335, %mul3A_336 : i32
        %add3A_338 = arith.addi %mul3A_2, %mul3A_337 : i32
        %multiple_of3A_339 = tpu.assume_multiple %add3A_338, 16 : i32
        %dma_start3A_340 = tpu.memref_slice %arg3[%multiple_of3A_339] : memref<320000xi32, #tpu.memory_space<hbm>> -> memref<128xi32, #tpu.memory_space<hbm>>
        %dma_start3A_341 = tpu.memref_slice %arg3[%multiple_of3A_339] : memref<320000xi32, #tpu.memory_space<hbm>> -> memref<128xi32, #tpu.memory_space<hbm>>
        tpu.enqueue_dma source(%dma_start3A_341 : memref<128xi32, #tpu.memory_space<hbm>>) target(%arg9 : memref<128xi32, #tpu.memory_space<vmem>>) target_semaphore(%arg16 : memref<!tpu.dma_semaphore, #tpu.memory_space<semaphore_mem>>)
        %dma_start3A_342 = arith.constant 0 : i32
        %dma_start3A_343 = arith.constant 0 : i32
        %dma_start3A_344 = tpu.memref_slice %arg2[%multiple_of3A_339, %dma_start3A_342, %dma_start3A_343] : memref<320000x2x128xf32, #tpu.memory_space<hbm>> -> memref<128x1x128xf32, #tpu.memory_space<hbm>>
        %dma_start3A_345 = tpu.memref_squeeze %dma_start3A_344 : memref<128x1x128xf32, #tpu.memory_space<hbm>> -> memref<128x128xf32, #tpu.memory_space<hbm>>
        %dma_start3A_346 = arith.constant 0 : i32
        %dma_start3A_347 = tpu.memref_slice %arg2[%multiple_of3A_339, %dma_start3A_342, %dma_start3A_346] : memref<320000x2x128xf32, #tpu.memory_space<hbm>> -> memref<128x1x128xf32, #tpu.memory_space<hbm>>
        %dma_start3A_348 = tpu.memref_squeeze %dma_start3A_347 : memref<128x1x128xf32, #tpu.memory_space<hbm>> -> memref<128x128xf32, #tpu.memory_space<hbm>>
        tpu.enqueue_dma source(%dma_start3A_348 : memref<128x128xf32, #tpu.memory_space<hbm>>) target(%arg6 : memref<128x128xf32, #tpu.memory_space<vmem>>) target_semaphore(%arg13 : memref<!tpu.dma_semaphore, #tpu.memory_space<semaphore_mem>>)
      } else {
      }
      %mul3A_286 = arith.constant 3 : i32
      %mul3A_287 = arith.muli %mul3A_286, %scan3A_264 : i32
      %add3A_288 = arith.constant 1 : i32
      %add3A_289 = arith.addi %mul3A_287, %add3A_288 : i32
      %mul3A_290 = arith.constant 128 : i32
      %mul3A_291 = arith.muli %add3A_289, %mul3A_290 : i32
      %add3A_292 = arith.addi %mul3A_2, %mul3A_291 : i32
      %multiple_of3A_293 = tpu.assume_multiple %add3A_292, 16 : i32
      %dma_wait3A_294 = tpu.memref_slice %arg3[%multiple_of3A_293] : memref<320000xi32, #tpu.memory_space<hbm>> -> memref<128xi32, #tpu.memory_space<hbm>>
      %dma_wait3A_295 = tpu.memref_slice %arg3[%multiple_of3A_293] : memref<320000xi32, #tpu.memory_space<hbm>> -> memref<128xi32, #tpu.memory_space<hbm>>
      tpu.wait_dma2 semaphore(%arg17 : memref<!tpu.dma_semaphore, #tpu.memory_space<semaphore_mem>>) src(%dma_wait3A_295 : memref<128xi32, #tpu.memory_space<hbm>>) dst(%arg10 : memref<128xi32, #tpu.memory_space<vmem>>)
      %dma_wait3A_296 = arith.constant 0 : i32
      %dma_wait3A_297 = arith.constant 0 : i32
      %dma_wait3A_298 = tpu.memref_slice %arg2[%multiple_of3A_293, %dma_wait3A_296, %dma_wait3A_297] : memref<320000x2x128xf32, #tpu.memory_space<hbm>> -> memref<128x1x128xf32, #tpu.memory_space<hbm>>
      %dma_wait3A_299 = tpu.memref_squeeze %dma_wait3A_298 : memref<128x1x128xf32, #tpu.memory_space<hbm>> -> memref<128x128xf32, #tpu.memory_space<hbm>>
      %dma_wait3A_300 = arith.constant 0 : i32
      %dma_wait3A_301 = tpu.memref_slice %arg2[%multiple_of3A_293, %dma_wait3A_296, %dma_wait3A_300] : memref<320000x2x128xf32, #tpu.memory_space<hbm>> -> memref<128x1x128xf32, #tpu.memory_space<hbm>>
      %dma_wait3A_302 = tpu.memref_squeeze %dma_wait3A_301 : memref<128x1x128xf32, #tpu.memory_space<hbm>> -> memref<128x128xf32, #tpu.memory_space<hbm>>
      tpu.wait_dma2 semaphore(%arg14 : memref<!tpu.dma_semaphore, #tpu.memory_space<semaphore_mem>>) src(%dma_wait3A_302 : memref<128x128xf32, #tpu.memory_space<hbm>>) dst(%arg7 : memref<128x128xf32, #tpu.memory_space<vmem>>)
      "tpu.region"() ({
        %run_scoped3A_334 = tpu.sem_alloc : memref<!tpu.dma_semaphore, #tpu.memory_space<semaphore_mem>>
        %dma_start3A_335 = arith.constant 0 : i32
        %dma_start3A_336 = arith.constant 0 : i32
        %dma_start3A_337 = tpu.memref_slice %arg5[%dma_start3A_335, %dma_start3A_336] : memref<10112x128xf32, #tpu.memory_space<vmem_shared>> -> memref<10112x128xf32, #tpu.memory_space<vmem_shared>>
        tpu.enqueue_indirect_dma source(%arg7 : memref<128x128xf32, #tpu.memory_space<vmem>>) target(%dma_start3A_337 : memref<10112x128xf32, #tpu.memory_space<vmem_shared>>) offsets(%arg10 : memref<128xi32, #tpu.memory_space<vmem>>) semaphore(%run_scoped3A_334 : memref<!tpu.dma_semaphore, #tpu.memory_space<semaphore_mem>>) {add = true}
        %dma_wait3A_338 = arith.constant 0 : i32
        %dma_wait3A_339 = arith.constant 0 : i32
        %dma_wait3A_340 = tpu.memref_slice %arg5[%dma_wait3A_338, %dma_wait3A_339] : memref<10112x128xf32, #tpu.memory_space<vmem_shared>> -> memref<10112x128xf32, #tpu.memory_space<vmem_shared>>
        tpu.wait_indirect_dma semaphore(%run_scoped3A_334 : memref<!tpu.dma_semaphore, #tpu.memory_space<semaphore_mem>>) src(%arg7 : memref<128x128xf32, #tpu.memory_space<vmem>>) dst(%dma_wait3A_340 : memref<10112x128xf32, #tpu.memory_space<vmem_shared>>)
        tpu.yield
      }) : () -> ()
      %add3A_303 = arith.constant 3 : i32
      %add3A_304 = arith.addi %add3A_289, %add3A_303 : i32
      %lt3A_305 = arith.constant 78 : i32
      %lt3A_306 = arith.cmpi slt, %add3A_304, %lt3A_305 : i32
      %convert_element_type3A_307 = arith.extui %lt3A_306 : i1 to i32
      %cond3A_308 = arith.constant 0 : i32
      %cond3A_309 = arith.cmpi ne, %convert_element_type3A_307, %cond3A_308 : i32
      scf.if %cond3A_309 {
        %add3A_334 = arith.constant 3 : i32
        %add3A_335 = arith.addi %add3A_289, %add3A_334 : i32
        %mul3A_336 = arith.constant 128 : i32
        %mul3A_337 = arith.muli %add3A_335, %mul3A_336 : i32
        %add3A_338 = arith.addi %mul3A_2, %mul3A_337 : i32
        %multiple_of3A_339 = tpu.assume_multiple %add3A_338, 16 : i32
        %dma_start3A_340 = tpu.memref_slice %arg3[%multiple_of3A_339] : memref<320000xi32, #tpu.memory_space<hbm>> -> memref<128xi32, #tpu.memory_space<hbm>>
        %dma_start3A_341 = tpu.memref_slice %arg3[%multiple_of3A_339] : memref<320000xi32, #tpu.memory_space<hbm>> -> memref<128xi32, #tpu.memory_space<hbm>>
        tpu.enqueue_dma source(%dma_start3A_341 : memref<128xi32, #tpu.memory_space<hbm>>) target(%arg10 : memref<128xi32, #tpu.memory_space<vmem>>) target_semaphore(%arg17 : memref<!tpu.dma_semaphore, #tpu.memory_space<semaphore_mem>>)
        %dma_start3A_342 = arith.constant 0 : i32
        %dma_start3A_343 = arith.constant 0 : i32
        %dma_start3A_344 = tpu.memref_slice %arg2[%multiple_of3A_339, %dma_start3A_342, %dma_start3A_343] : memref<320000x2x128xf32, #tpu.memory_space<hbm>> -> memref<128x1x128xf32, #tpu.memory_space<hbm>>
        %dma_start3A_345 = tpu.memref_squeeze %dma_start3A_344 : memref<128x1x128xf32, #tpu.memory_space<hbm>> -> memref<128x128xf32, #tpu.memory_space<hbm>>
        %dma_start3A_346 = arith.constant 0 : i32
        %dma_start3A_347 = tpu.memref_slice %arg2[%multiple_of3A_339, %dma_start3A_342, %dma_start3A_346] : memref<320000x2x128xf32, #tpu.memory_space<hbm>> -> memref<128x1x128xf32, #tpu.memory_space<hbm>>
        %dma_start3A_348 = tpu.memref_squeeze %dma_start3A_347 : memref<128x1x128xf32, #tpu.memory_space<hbm>> -> memref<128x128xf32, #tpu.memory_space<hbm>>
        tpu.enqueue_dma source(%dma_start3A_348 : memref<128x128xf32, #tpu.memory_space<hbm>>) target(%arg7 : memref<128x128xf32, #tpu.memory_space<vmem>>) target_semaphore(%arg14 : memref<!tpu.dma_semaphore, #tpu.memory_space<semaphore_mem>>)
      } else {
      }
      %mul3A_310 = arith.constant 3 : i32
      %mul3A_311 = arith.muli %mul3A_310, %scan3A_264 : i32
      %add3A_312 = arith.constant 2 : i32
      %add3A_313 = arith.addi %mul3A_311, %add3A_312 : i32
      %mul3A_314 = arith.constant 128 : i32
      %mul3A_315 = arith.muli %add3A_313, %mul3A_314 : i32
      %add3A_316 = arith.addi %mul3A_2, %mul3A_315 : i32
      %multiple_of3A_317 = tpu.assume_multiple %add3A_316, 16 : i32
      %dma_wait3A_318 = tpu.memref_slice %arg3[%multiple_of3A_317] : memref<320000xi32, #tpu.memory_space<hbm>> -> memref<128xi32, #tpu.memory_space<hbm>>
      %dma_wait3A_319 = tpu.memref_slice %arg3[%multiple_of3A_317] : memref<320000xi32, #tpu.memory_space<hbm>> -> memref<128xi32, #tpu.memory_space<hbm>>
      tpu.wait_dma2 semaphore(%arg18 : memref<!tpu.dma_semaphore, #tpu.memory_space<semaphore_mem>>) src(%dma_wait3A_319 : memref<128xi32, #tpu.memory_space<hbm>>) dst(%arg11 : memref<128xi32, #tpu.memory_space<vmem>>)
      %dma_wait3A_320 = arith.constant 0 : i32
      %dma_wait3A_321 = arith.constant 0 : i32
      %dma_wait3A_322 = tpu.memref_slice %arg2[%multiple_of3A_317, %dma_wait3A_320, %dma_wait3A_321] : memref<320000x2x128xf32, #tpu.memory_space<hbm>> -> memref<128x1x128xf32, #tpu.memory_space<hbm>>
      %dma_wait3A_323 = tpu.memref_squeeze %dma_wait3A_322 : memref<128x1x128xf32, #tpu.memory_space<hbm>> -> memref<128x128xf32, #tpu.memory_space<hbm>>
      %dma_wait3A_324 = arith.constant 0 : i32
      %dma_wait3A_325 = tpu.memref_slice %arg2[%multiple_of3A_317, %dma_wait3A_320, %dma_wait3A_324] : memref<320000x2x128xf32, #tpu.memory_space<hbm>> -> memref<128x1x128xf32, #tpu.memory_space<hbm>>
      %dma_wait3A_326 = tpu.memref_squeeze %dma_wait3A_325 : memref<128x1x128xf32, #tpu.memory_space<hbm>> -> memref<128x128xf32, #tpu.memory_space<hbm>>
      tpu.wait_dma2 semaphore(%arg15 : memref<!tpu.dma_semaphore, #tpu.memory_space<semaphore_mem>>) src(%dma_wait3A_326 : memref<128x128xf32, #tpu.memory_space<hbm>>) dst(%arg8 : memref<128x128xf32, #tpu.memory_space<vmem>>)
      "tpu.region"() ({
        %run_scoped3A_334 = tpu.sem_alloc : memref<!tpu.dma_semaphore, #tpu.memory_space<semaphore_mem>>
        %dma_start3A_335 = arith.constant 0 : i32
        %dma_start3A_336 = arith.constant 0 : i32
        %dma_start3A_337 = tpu.memref_slice %arg5[%dma_start3A_335, %dma_start3A_336] : memref<10112x128xf32, #tpu.memory_space<vmem_shared>> -> memref<10112x128xf32, #tpu.memory_space<vmem_shared>>
        tpu.enqueue_indirect_dma source(%arg8 : memref<128x128xf32, #tpu.memory_space<vmem>>) target(%dma_start3A_337 : memref<10112x128xf32, #tpu.memory_space<vmem_shared>>) offsets(%arg11 : memref<128xi32, #tpu.memory_space<vmem>>) semaphore(%run_scoped3A_334 : memref<!tpu.dma_semaphore, #tpu.memory_space<semaphore_mem>>) {add = true}
        %dma_wait3A_338 = arith.constant 0 : i32
        %dma_wait3A_339 = arith.constant 0 : i32
        %dma_wait3A_340 = tpu.memref_slice %arg5[%dma_wait3A_338, %dma_wait3A_339] : memref<10112x128xf32, #tpu.memory_space<vmem_shared>> -> memref<10112x128xf32, #tpu.memory_space<vmem_shared>>
        tpu.wait_indirect_dma semaphore(%run_scoped3A_334 : memref<!tpu.dma_semaphore, #tpu.memory_space<semaphore_mem>>) src(%arg8 : memref<128x128xf32, #tpu.memory_space<vmem>>) dst(%dma_wait3A_340 : memref<10112x128xf32, #tpu.memory_space<vmem_shared>>)
        tpu.yield
      }) : () -> ()
      %add3A_327 = arith.constant 3 : i32
      %add3A_328 = arith.addi %add3A_313, %add3A_327 : i32
      %lt3A_329 = arith.constant 78 : i32
      %lt3A_330 = arith.cmpi slt, %add3A_328, %lt3A_329 : i32
      %convert_element_type3A_331 = arith.extui %lt3A_330 : i1 to i32
      %cond3A_332 = arith.constant 0 : i32
      %cond3A_333 = arith.cmpi ne, %convert_element_type3A_331, %cond3A_332 : i32
      scf.if %cond3A_333 {
        %add3A_334 = arith.constant 3 : i32
        %add3A_335 = arith.addi %add3A_313, %add3A_334 : i32
        %mul3A_336 = arith.constant 128 : i32
        %mul3A_337 = arith.muli %add3A_335, %mul3A_336 : i32
        %add3A_338 = arith.addi %mul3A_2, %mul3A_337 : i32
        %multiple_of3A_339 = tpu.assume_multiple %add3A_338, 16 : i32
        %dma_start3A_340 = tpu.memref_slice %arg3[%multiple_of3A_339] : memref<320000xi32, #tpu.memory_space<hbm>> -> memref<128xi32, #tpu.memory_space<hbm>>
        %dma_start3A_341 = tpu.memref_slice %arg3[%multiple_of3A_339] : memref<320000xi32, #tpu.memory_space<hbm>> -> memref<128xi32, #tpu.memory_space<hbm>>
        tpu.enqueue_dma source(%dma_start3A_341 : memref<128xi32, #tpu.memory_space<hbm>>) target(%arg11 : memref<128xi32, #tpu.memory_space<vmem>>) target_semaphore(%arg18 : memref<!tpu.dma_semaphore, #tpu.memory_space<semaphore_mem>>)
        %dma_start3A_342 = arith.constant 0 : i32
        %dma_start3A_343 = arith.constant 0 : i32
        %dma_start3A_344 = tpu.memref_slice %arg2[%multiple_of3A_339, %dma_start3A_342, %dma_start3A_343] : memref<320000x2x128xf32, #tpu.memory_space<hbm>> -> memref<128x1x128xf32, #tpu.memory_space<hbm>>
        %dma_start3A_345 = tpu.memref_squeeze %dma_start3A_344 : memref<128x1x128xf32, #tpu.memory_space<hbm>> -> memref<128x128xf32, #tpu.memory_space<hbm>>
        %dma_start3A_346 = arith.constant 0 : i32
        %dma_start3A_347 = tpu.memref_slice %arg2[%multiple_of3A_339, %dma_start3A_342, %dma_start3A_346] : memref<320000x2x128xf32, #tpu.memory_space<hbm>> -> memref<128x1x128xf32, #tpu.memory_space<hbm>>
        %dma_start3A_348 = tpu.memref_squeeze %dma_start3A_347 : memref<128x1x128xf32, #tpu.memory_space<hbm>> -> memref<128x128xf32, #tpu.memory_space<hbm>>
        tpu.enqueue_dma source(%dma_start3A_348 : memref<128x128xf32, #tpu.memory_space<hbm>>) target(%arg8 : memref<128x128xf32, #tpu.memory_space<vmem>>) target_semaphore(%arg15 : memref<!tpu.dma_semaphore, #tpu.memory_space<semaphore_mem>>)
      } else {
      }
    }
    %scan3A_169 = arith.constant 26 : i32
    %add3A_170 = arith.constant 9984 : i32
    %add3A_171 = arith.addi %mul3A_2, %add3A_170 : i32
    %multiple_of3A_172 = tpu.assume_multiple %add3A_171, 8 : i32
    "tpu.region"() ({
      %run_scoped3A_264 = tpu.sem_alloc : memref<!tpu.dma_semaphore, #tpu.memory_space<semaphore_mem>>
      %dma_start3A_265 = tpu.memref_slice %arg3[%multiple_of3A_172] : memref<320000xi32, #tpu.memory_space<hbm>> -> memref<16xi32, #tpu.memory_space<hbm>>
      %dma_start3A_266 = tpu.memref_slice %arg3[%multiple_of3A_172] : memref<320000xi32, #tpu.memory_space<hbm>> -> memref<16xi32, #tpu.memory_space<hbm>>
      tpu.enqueue_dma source(%dma_start3A_266 : memref<16xi32, #tpu.memory_space<hbm>>) target(%arg12 : memref<16xi32, #tpu.memory_space<vmem>>) target_semaphore(%run_scoped3A_264 : memref<!tpu.dma_semaphore, #tpu.memory_space<semaphore_mem>>)
      %dma_wait3A_267 = tpu.memref_slice %arg3[%multiple_of3A_172] : memref<320000xi32, #tpu.memory_space<hbm>> -> memref<16xi32, #tpu.memory_space<hbm>>
      %dma_wait3A_268 = tpu.memref_slice %arg3[%multiple_of3A_172] : memref<320000xi32, #tpu.memory_space<hbm>> -> memref<16xi32, #tpu.memory_space<hbm>>
      tpu.wait_dma2 semaphore(%run_scoped3A_264 : memref<!tpu.dma_semaphore, #tpu.memory_space<semaphore_mem>>) src(%dma_wait3A_268 : memref<16xi32, #tpu.memory_space<hbm>>) dst(%arg12 : memref<16xi32, #tpu.memory_space<vmem>>)
      tpu.yield
    }) : () -> ()
    %run_scoped3A = arith.constant 0 : i32
    "tpu.region"() ({
      %run_scoped3A_264 = tpu.sem_alloc : memref<!tpu.dma_semaphore, #tpu.memory_space<semaphore_mem>>
      %dma_start3A_265 = arith.constant 0 : i32
      %dma_start3A_266 = arith.constant 0 : i32
      %dma_start3A_267 = tpu.memref_slice %arg6[%dma_start3A_265, %dma_start3A_266] : memref<128x128xf32, #tpu.memory_space<vmem>> -> memref<16x128xf32, #tpu.memory_space<vmem>>
      %dma_start3A_268 = arith.constant 0 : i32
      %dma_start3A_269 = tpu.memref_slice %arg2[%multiple_of3A_172, %run_scoped3A, %dma_start3A_268] : memref<320000x2x128xf32, #tpu.memory_space<hbm>> -> memref<16x1x128xf32, #tpu.memory_space<hbm>>
      %dma_start3A_270 = tpu.memref_squeeze %dma_start3A_269 : memref<16x1x128xf32, #tpu.memory_space<hbm>> -> memref<16x128xf32, #tpu.memory_space<hbm>>
      %dma_start3A_271 = arith.constant 0 : i32
      %dma_start3A_272 = arith.constant 0 : i32
      %dma_start3A_273 = tpu.memref_slice %arg6[%dma_start3A_271, %dma_start3A_272] : memref<128x128xf32, #tpu.memory_space<vmem>> -> memref<16x128xf32, #tpu.memory_space<vmem>>
      %dma_start3A_274 = arith.constant 0 : i32
      %dma_start3A_275 = tpu.memref_slice %arg2[%multiple_of3A_172, %run_scoped3A, %dma_start3A_274] : memref<320000x2x128xf32, #tpu.memory_space<hbm>> -> memref<16x1x128xf32, #tpu.memory_space<hbm>>
      %dma_start3A_276 = tpu.memref_squeeze %dma_start3A_275 : memref<16x1x128xf32, #tpu.memory_space<hbm>> -> memref<16x128xf32, #tpu.memory_space<hbm>>
      tpu.enqueue_dma source(%dma_start3A_276 : memref<16x128xf32, #tpu.memory_space<hbm>>) target(%dma_start3A_273 : memref<16x128xf32, #tpu.memory_space<vmem>>) target_semaphore(%run_scoped3A_264 : memref<!tpu.dma_semaphore, #tpu.memory_space<semaphore_mem>>)
      %dma_wait3A_277 = arith.constant 0 : i32
      %dma_wait3A_278 = arith.constant 0 : i32
      %dma_wait3A_279 = tpu.memref_slice %arg6[%dma_wait3A_277, %dma_wait3A_278] : memref<128x128xf32, #tpu.memory_space<vmem>> -> memref<16x128xf32, #tpu.memory_space<vmem>>
      %dma_wait3A_280 = arith.constant 0 : i32
      %dma_wait3A_281 = tpu.memref_slice %arg2[%multiple_of3A_172, %run_scoped3A, %dma_wait3A_280] : memref<320000x2x128xf32, #tpu.memory_space<hbm>> -> memref<16x1x128xf32, #tpu.memory_space<hbm>>
      %dma_wait3A_282 = tpu.memref_squeeze %dma_wait3A_281 : memref<16x1x128xf32, #tpu.memory_space<hbm>> -> memref<16x128xf32, #tpu.memory_space<hbm>>
      %dma_wait3A_283 = arith.constant 0 : i32
      %dma_wait3A_284 = arith.constant 0 : i32
      %dma_wait3A_285 = tpu.memref_slice %arg6[%dma_wait3A_283, %dma_wait3A_284] : memref<128x128xf32, #tpu.memory_space<vmem>> -> memref<16x128xf32, #tpu.memory_space<vmem>>
      %dma_wait3A_286 = arith.constant 0 : i32
      %dma_wait3A_287 = tpu.memref_slice %arg2[%multiple_of3A_172, %run_scoped3A, %dma_wait3A_286] : memref<320000x2x128xf32, #tpu.memory_space<hbm>> -> memref<16x1x128xf32, #tpu.memory_space<hbm>>
      %dma_wait3A_288 = tpu.memref_squeeze %dma_wait3A_287 : memref<16x1x128xf32, #tpu.memory_space<hbm>> -> memref<16x128xf32, #tpu.memory_space<hbm>>
      tpu.wait_dma2 semaphore(%run_scoped3A_264 : memref<!tpu.dma_semaphore, #tpu.memory_space<semaphore_mem>>) src(%dma_wait3A_288 : memref<16x128xf32, #tpu.memory_space<hbm>>) dst(%dma_wait3A_285 : memref<16x128xf32, #tpu.memory_space<vmem>>)
      tpu.yield
    }) : () -> ()
    "tpu.region"() ({
      %run_scoped3A_264 = tpu.sem_alloc : memref<!tpu.dma_semaphore, #tpu.memory_space<semaphore_mem>>
      %dma_start3A_265 = arith.constant 0 : i32
      %dma_start3A_266 = arith.constant 0 : i32
      %dma_start3A_267 = tpu.memref_slice %arg6[%dma_start3A_265, %dma_start3A_266] : memref<128x128xf32, #tpu.memory_space<vmem>> -> memref<16x128xf32, #tpu.memory_space<vmem>>
      %dma_start3A_268 = arith.constant 0 : i32
      %dma_start3A_269 = arith.constant 0 : i32
      %dma_start3A_270 = tpu.memref_slice %arg5[%dma_start3A_268, %dma_start3A_269] : memref<10112x128xf32, #tpu.memory_space<vmem_shared>> -> memref<10112x128xf32, #tpu.memory_space<vmem_shared>>
      tpu.enqueue_indirect_dma source(%dma_start3A_267 : memref<16x128xf32, #tpu.memory_space<vmem>>) target(%dma_start3A_270 : memref<10112x128xf32, #tpu.memory_space<vmem_shared>>) offsets(%arg12 : memref<16xi32, #tpu.memory_space<vmem>>) semaphore(%run_scoped3A_264 : memref<!tpu.dma_semaphore, #tpu.memory_space<semaphore_mem>>) {add = true}
      %dma_wait3A_271 = arith.constant 0 : i32
      %dma_wait3A_272 = arith.constant 0 : i32
      %dma_wait3A_273 = tpu.memref_slice %arg6[%dma_wait3A_271, %dma_wait3A_272] : memref<128x128xf32, #tpu.memory_space<vmem>> -> memref<16x128xf32, #tpu.memory_space<vmem>>
      %dma_wait3A_274 = arith.constant 0 : i32
      %dma_wait3A_275 = arith.constant 0 : i32
      %dma_wait3A_276 = tpu.memref_slice %arg5[%dma_wait3A_274, %dma_wait3A_275] : memref<10112x128xf32, #tpu.memory_space<vmem_shared>> -> memref<10112x128xf32, #tpu.memory_space<vmem_shared>>
      tpu.wait_indirect_dma semaphore(%run_scoped3A_264 : memref<!tpu.dma_semaphore, #tpu.memory_space<semaphore_mem>>) src(%dma_wait3A_273 : memref<16x128xf32, #tpu.memory_space<vmem>>) dst(%dma_wait3A_276 : memref<10112x128xf32, #tpu.memory_space<vmem_shared>>)
      tpu.yield
    }) : () -> ()
    %barrier3A_173 = arith.constant 0 : index
    tpu.barrier barrier_id(%barrier3A_173)
    %add3A_174 = arith.constant 0 : i32
    %add3A_175 = arith.addi %mul3A_32, %add3A_174 : i32
    %add3A_176 = arith.constant 0 : i32
    %add3A_177 = arith.addi %mul3A_32, %add3A_176 : i32
    %dma_start3A_178 = arith.constant 0 : i32
    %dma_start3A_179 = tpu.memref_slice %arg4[%arg0, %add3A_177, %dma_start3A_178] : memref<2x10112x128xf32, #tpu.memory_space<hbm>> -> memref<1x128x128xf32, #tpu.memory_space<hbm>>
    %dma_start3A_180 = tpu.memref_squeeze %dma_start3A_179 : memref<1x128x128xf32, #tpu.memory_space<hbm>> -> memref<128x128xf32, #tpu.memory_space<hbm>>
    %dma_start3A_181 = arith.constant 0 : i32
    %dma_start3A_182 = tpu.memref_slice %arg5[%add3A_175, %dma_start3A_181] : memref<10112x128xf32, #tpu.memory_space<vmem_shared>> -> memref<128x128xf32, #tpu.memory_space<vmem_shared>>
    tpu.enqueue_dma source(%dma_start3A_182 : memref<128x128xf32, #tpu.memory_space<vmem_shared>>) target(%dma_start3A_180 : memref<128x128xf32, #tpu.memory_space<hbm>>) target_semaphore(%arg19 : memref<!tpu.dma_semaphore, #tpu.memory_space<semaphore_mem>>)
    %add3A_183 = arith.constant 128 : i32
    %add3A_184 = arith.addi %mul3A_32, %add3A_183 : i32
    %add3A_185 = arith.constant 128 : i32
    %add3A_186 = arith.addi %mul3A_32, %add3A_185 : i32
    %dma_start3A_187 = arith.constant 0 : i32
    %dma_start3A_188 = tpu.memref_slice %arg4[%arg0, %add3A_186, %dma_start3A_187] : memref<2x10112x128xf32, #tpu.memory_space<hbm>> -> memref<1x128x128xf32, #tpu.memory_space<hbm>>
    %dma_start3A_189 = tpu.memref_squeeze %dma_start3A_188 : memref<1x128x128xf32, #tpu.memory_space<hbm>> -> memref<128x128xf32, #tpu.memory_space<hbm>>
    %dma_start3A_190 = arith.constant 0 : i32
    %dma_start3A_191 = tpu.memref_slice %arg5[%add3A_184, %dma_start3A_190] : memref<10112x128xf32, #tpu.memory_space<vmem_shared>> -> memref<128x128xf32, #tpu.memory_space<vmem_shared>>
    tpu.enqueue_dma source(%dma_start3A_191 : memref<128x128xf32, #tpu.memory_space<vmem_shared>>) target(%dma_start3A_189 : memref<128x128xf32, #tpu.memory_space<hbm>>) target_semaphore(%arg19 : memref<!tpu.dma_semaphore, #tpu.memory_space<semaphore_mem>>)
    %add3A_192 = arith.constant 256 : i32
    %add3A_193 = arith.addi %mul3A_32, %add3A_192 : i32
    %add3A_194 = arith.constant 256 : i32
    %add3A_195 = arith.addi %mul3A_32, %add3A_194 : i32
    %dma_start3A_196 = arith.constant 0 : i32
    %dma_start3A_197 = tpu.memref_slice %arg4[%arg0, %add3A_195, %dma_start3A_196] : memref<2x10112x128xf32, #tpu.memory_space<hbm>> -> memref<1x128x128xf32, #tpu.memory_space<hbm>>
    %dma_start3A_198 = tpu.memref_squeeze %dma_start3A_197 : memref<1x128x128xf32, #tpu.memory_space<hbm>> -> memref<128x128xf32, #tpu.memory_space<hbm>>
    %dma_start3A_199 = arith.constant 0 : i32
    %dma_start3A_200 = tpu.memref_slice %arg5[%add3A_193, %dma_start3A_199] : memref<10112x128xf32, #tpu.memory_space<vmem_shared>> -> memref<128x128xf32, #tpu.memory_space<vmem_shared>>
    tpu.enqueue_dma source(%dma_start3A_200 : memref<128x128xf32, #tpu.memory_space<vmem_shared>>) target(%dma_start3A_198 : memref<128x128xf32, #tpu.memory_space<hbm>>) target_semaphore(%arg19 : memref<!tpu.dma_semaphore, #tpu.memory_space<semaphore_mem>>)
    %add3A_201 = arith.constant 384 : i32
    %add3A_202 = arith.addi %mul3A_32, %add3A_201 : i32
    %add3A_203 = arith.constant 384 : i32
    %add3A_204 = arith.addi %mul3A_32, %add3A_203 : i32
    %dma_start3A_205 = arith.constant 0 : i32
    %dma_start3A_206 = tpu.memref_slice %arg4[%arg0, %add3A_204, %dma_start3A_205] : memref<2x10112x128xf32, #tpu.memory_space<hbm>> -> memref<1x128x128xf32, #tpu.memory_space<hbm>>
    %dma_start3A_207 = tpu.memref_squeeze %dma_start3A_206 : memref<1x128x128xf32, #tpu.memory_space<hbm>> -> memref<128x128xf32, #tpu.memory_space<hbm>>
    %dma_start3A_208 = arith.constant 0 : i32
    %dma_start3A_209 = tpu.memref_slice %arg5[%add3A_202, %dma_start3A_208] : memref<10112x128xf32, #tpu.memory_space<vmem_shared>> -> memref<128x128xf32, #tpu.memory_space<vmem_shared>>
    tpu.enqueue_dma source(%dma_start3A_209 : memref<128x128xf32, #tpu.memory_space<vmem_shared>>) target(%dma_start3A_207 : memref<128x128xf32, #tpu.memory_space<hbm>>) target_semaphore(%arg19 : memref<!tpu.dma_semaphore, #tpu.memory_space<semaphore_mem>>)
    %add3A_210 = arith.constant 512 : i32
    %add3A_211 = arith.addi %mul3A_32, %add3A_210 : i32
    %add3A_212 = arith.constant 512 : i32
    %add3A_213 = arith.addi %mul3A_32, %add3A_212 : i32
    %dma_start3A_214 = arith.constant 0 : i32
    %dma_start3A_215 = tpu.memref_slice %arg4[%arg0, %add3A_213, %dma_start3A_214] : memref<2x10112x128xf32, #tpu.memory_space<hbm>> -> memref<1x120x128xf32, #tpu.memory_space<hbm>>
    %dma_start3A_216 = tpu.memref_squeeze %dma_start3A_215 : memref<1x120x128xf32, #tpu.memory_space<hbm>> -> memref<120x128xf32, #tpu.memory_space<hbm>>
    %dma_start3A_217 = arith.constant 0 : i32
    %dma_start3A_218 = tpu.memref_slice %arg5[%add3A_211, %dma_start3A_217] : memref<10112x128xf32, #tpu.memory_space<vmem_shared>> -> memref<120x128xf32, #tpu.memory_space<vmem_shared>>
    tpu.enqueue_dma source(%dma_start3A_218 : memref<120x128xf32, #tpu.memory_space<vmem_shared>>) target(%dma_start3A_216 : memref<120x128xf32, #tpu.memory_space<hbm>>) target_semaphore(%arg19 : memref<!tpu.dma_semaphore, #tpu.memory_space<semaphore_mem>>)
    %add3A_219 = arith.constant 0 : i32
    %add3A_220 = arith.addi %mul3A_32, %add3A_219 : i32
    %add3A_221 = arith.constant 0 : i32
    %add3A_222 = arith.addi %mul3A_32, %add3A_221 : i32
    %dma_wait3A_223 = arith.constant 0 : i32
    %dma_wait3A_224 = tpu.memref_slice %arg4[%arg0, %add3A_222, %dma_wait3A_223] : memref<2x10112x128xf32, #tpu.memory_space<hbm>> -> memref<1x128x128xf32, #tpu.memory_space<hbm>>
    %dma_wait3A_225 = tpu.memref_squeeze %dma_wait3A_224 : memref<1x128x128xf32, #tpu.memory_space<hbm>> -> memref<128x128xf32, #tpu.memory_space<hbm>>
    %dma_wait3A_226 = arith.constant 0 : i32
    %dma_wait3A_227 = tpu.memref_slice %arg5[%add3A_220, %dma_wait3A_226] : memref<10112x128xf32, #tpu.memory_space<vmem_shared>> -> memref<128x128xf32, #tpu.memory_space<vmem_shared>>
    tpu.wait_dma2 semaphore(%arg19 : memref<!tpu.dma_semaphore, #tpu.memory_space<semaphore_mem>>) src(%dma_wait3A_227 : memref<128x128xf32, #tpu.memory_space<vmem_shared>>) dst(%dma_wait3A_225 : memref<128x128xf32, #tpu.memory_space<hbm>>)
    %add3A_228 = arith.constant 128 : i32
    %add3A_229 = arith.addi %mul3A_32, %add3A_228 : i32
    %add3A_230 = arith.constant 128 : i32
    %add3A_231 = arith.addi %mul3A_32, %add3A_230 : i32
    %dma_wait3A_232 = arith.constant 0 : i32
    %dma_wait3A_233 = tpu.memref_slice %arg4[%arg0, %add3A_231, %dma_wait3A_232] : memref<2x10112x128xf32, #tpu.memory_space<hbm>> -> memref<1x128x128xf32, #tpu.memory_space<hbm>>
    %dma_wait3A_234 = tpu.memref_squeeze %dma_wait3A_233 : memref<1x128x128xf32, #tpu.memory_space<hbm>> -> memref<128x128xf32, #tpu.memory_space<hbm>>
    %dma_wait3A_235 = arith.constant 0 : i32
    %dma_wait3A_236 = tpu.memref_slice %arg5[%add3A_229, %dma_wait3A_235] : memref<10112x128xf32, #tpu.memory_space<vmem_shared>> -> memref<128x128xf32, #tpu.memory_space<vmem_shared>>
    tpu.wait_dma2 semaphore(%arg19 : memref<!tpu.dma_semaphore, #tpu.memory_space<semaphore_mem>>) src(%dma_wait3A_236 : memref<128x128xf32, #tpu.memory_space<vmem_shared>>) dst(%dma_wait3A_234 : memref<128x128xf32, #tpu.memory_space<hbm>>)
    %add3A_237 = arith.constant 256 : i32
    %add3A_238 = arith.addi %mul3A_32, %add3A_237 : i32
    %add3A_239 = arith.constant 256 : i32
    %add3A_240 = arith.addi %mul3A_32, %add3A_239 : i32
    %dma_wait3A_241 = arith.constant 0 : i32
    %dma_wait3A_242 = tpu.memref_slice %arg4[%arg0, %add3A_240, %dma_wait3A_241] : memref<2x10112x128xf32, #tpu.memory_space<hbm>> -> memref<1x128x128xf32, #tpu.memory_space<hbm>>
    %dma_wait3A_243 = tpu.memref_squeeze %dma_wait3A_242 : memref<1x128x128xf32, #tpu.memory_space<hbm>> -> memref<128x128xf32, #tpu.memory_space<hbm>>
    %dma_wait3A_244 = arith.constant 0 : i32
    %dma_wait3A_245 = tpu.memref_slice %arg5[%add3A_238, %dma_wait3A_244] : memref<10112x128xf32, #tpu.memory_space<vmem_shared>> -> memref<128x128xf32, #tpu.memory_space<vmem_shared>>
    tpu.wait_dma2 semaphore(%arg19 : memref<!tpu.dma_semaphore, #tpu.memory_space<semaphore_mem>>) src(%dma_wait3A_245 : memref<128x128xf32, #tpu.memory_space<vmem_shared>>) dst(%dma_wait3A_243 : memref<128x128xf32, #tpu.memory_space<hbm>>)
    %add3A_246 = arith.constant 384 : i32
    %add3A_247 = arith.addi %mul3A_32, %add3A_246 : i32
    %add3A_248 = arith.constant 384 : i32
    %add3A_249 = arith.addi %mul3A_32, %add3A_248 : i32
    %dma_wait3A_250 = arith.constant 0 : i32
    %dma_wait3A_251 = tpu.memref_slice %arg4[%arg0, %add3A_249, %dma_wait3A_250] : memref<2x10112x128xf32, #tpu.memory_space<hbm>> -> memref<1x128x128xf32, #tpu.memory_space<hbm>>
    %dma_wait3A_252 = tpu.memref_squeeze %dma_wait3A_251 : memref<1x128x128xf32, #tpu.memory_space<hbm>> -> memref<128x128xf32, #tpu.memory_space<hbm>>
    %dma_wait3A_253 = arith.constant 0 : i32
    %dma_wait3A_254 = tpu.memref_slice %arg5[%add3A_247, %dma_wait3A_253] : memref<10112x128xf32, #tpu.memory_space<vmem_shared>> -> memref<128x128xf32, #tpu.memory_space<vmem_shared>>
    tpu.wait_dma2 semaphore(%arg19 : memref<!tpu.dma_semaphore, #tpu.memory_space<semaphore_mem>>) src(%dma_wait3A_254 : memref<128x128xf32, #tpu.memory_space<vmem_shared>>) dst(%dma_wait3A_252 : memref<128x128xf32, #tpu.memory_space<hbm>>)
    %add3A_255 = arith.constant 512 : i32
    %add3A_256 = arith.addi %mul3A_32, %add3A_255 : i32
    %add3A_257 = arith.constant 512 : i32
    %add3A_258 = arith.addi %mul3A_32, %add3A_257 : i32
    %dma_wait3A_259 = arith.constant 0 : i32
    %dma_wait3A_260 = tpu.memref_slice %arg4[%arg0, %add3A_258, %dma_wait3A_259] : memref<2x10112x128xf32, #tpu.memory_space<hbm>> -> memref<1x120x128xf32, #tpu.memory_space<hbm>>
    %dma_wait3A_261 = tpu.memref_squeeze %dma_wait3A_260 : memref<1x120x128xf32, #tpu.memory_space<hbm>> -> memref<120x128xf32, #tpu.memory_space<hbm>>
    %dma_wait3A_262 = arith.constant 0 : i32
    %dma_wait3A_263 = tpu.memref_slice %arg5[%add3A_256, %dma_wait3A_262] : memref<10112x128xf32, #tpu.memory_space<vmem_shared>> -> memref<120x128xf32, #tpu.memory_space<vmem_shared>>
    tpu.wait_dma2 semaphore(%arg19 : memref<!tpu.dma_semaphore, #tpu.memory_space<semaphore_mem>>) src(%dma_wait3A_263 : memref<120x128xf32, #tpu.memory_space<vmem_shared>>) dst(%dma_wait3A_261 : memref<120x128xf32, #tpu.memory_space<hbm>>)
    return
  }
}

module attributes {stable_mosaic.version = 14 : i64} {
  func.func @_combine_body(%arg0: i32, %arg1: memref<2x1000x128xf32, #tpu.memory_space<vmem>>, %arg2: memref<1000x128xf32, #tpu.memory_space<vmem>>) attributes {dimension_semantics = [#tpu.dimension_semantics<arbitrary>], iteration_bounds = array<i64: 10>, scalar_prefetch = 0 : i64, scratch_operands = 0 : i64, tpu.core_type = #tpu.core_type<tc>, window_params = [{transform_indices = @transform_0, window_bounds = array<i64: 2, 1000, 128>}, {transform_indices = @transform_1, window_bounds = array<i64: 1000, 128>}]} {
    %get3A = arith.constant 0 : index
    %get3A_0 = arith.constant 0 : index
    %get3A_1 = arith.constant 0 : index
    %get3A_2 = vector.load %arg1[%get3A, %get3A_0, %get3A_1] : memref<2x1000x128xf32, #tpu.memory_space<vmem>>, vector<1x1000x128xf32>
    %get3A_3 = vector.shape_cast %get3A_2 : vector<1x1000x128xf32> to vector<1000x128xf32>
    %get3A_4 = arith.constant 1 : index
    %get3A_5 = arith.constant 0 : index
    %get3A_6 = arith.constant 0 : index
    %get3A_7 = vector.load %arg1[%get3A_4, %get3A_5, %get3A_6] : memref<2x1000x128xf32, #tpu.memory_space<vmem>>, vector<1x1000x128xf32>
    %get3A_8 = vector.shape_cast %get3A_7 : vector<1x1000x128xf32> to vector<1000x128xf32>
    %add3A = arith.addf %get3A_3, %get3A_8 : vector<1000x128xf32>
    %swap3A = arith.constant 0 : index
    %swap3A_9 = arith.constant 0 : index
    %swap3A_10 = vector.load %arg2[%swap3A, %swap3A_9] : memref<1000x128xf32, #tpu.memory_space<vmem>>, vector<1000x128xf32>
    tpu.vector_store %arg2[%swap3A, %swap3A_9], %add3A {strides = array<i32>} : memref<1000x128xf32, #tpu.memory_space<vmem>>, vector<1000x128xf32>,
    return
  }
  func.func @transform_0(%arg0: i32) -> (i32, i32, i32) {
    %c0_i32 = arith.constant 0 : i32
    %c0_i32_0 = arith.constant 0 : i32
    %c0_i32_1 = arith.constant 0 : i32
    return %c0_i32, %arg0, %c0_i32_0 : i32, i32, i32
  }
  func.func @transform_1(%arg0: i32) -> (i32, i32) {
    %c0_i32 = arith.constant 0 : i32
    %c0_i32_0 = arith.constant 0 : i32
    return %arg0, %c0_i32 : i32, i32
  }
}

</mosaic_0001>

<sc_bundles>
// kernel: kernel.4.cloned.1.call-start
scs
__scs_entry_jumppad:
0x0: {  	(pc) =	sbr.rel $0x88, $3  }
0x1: {  	(tag) =	ssettag $0x0;
	lr =	simm.s32 $0x1  }
0x2: {  	[smem:$0x3F9F] =	sst lr;
	_ =	strace $0xD0000000  }
0x3: {  	_ = 	snop  }
0x4: {  	_ = 	snop  }
0x5: {  	_ = 	snop  }
0x6: {  	_ = 	snop  }
0x7: {  	_ = 	snop  }
__scs_overlays_trampoline_lowered:
0x8: {  	[smem:$0x3FAE] =	sst s0  }
0x9: {  	[smem:$0x3FAF] =	sst s1  }
0xa: {  	[smem:$0x3FB0] =	sst s2  }
0xb: {  	[smem:$0x3FB1] =	sst s3  }
0xc: {  	[smem:$0x3FB2] =	sst s4  }
0xd: {  	[smem:$0x3FB3] =	sst s5  }
0xe: {  	[smem:$0x3FB4] =	sst s6  }
0xf: {  	[smem:$0x3FB5] =	sst s7  }
0x10: {  	[smem:$0x3FB6] =	sst s8  }
0x11: {  	[smem:$0x3FB7] =	sst s9;
	s0 =	simm.s32 @!p0 $0x0  }
0x12: {  	s1 =	sld [smem:$0x3F9D];
	s0 =	simm.s32 @p0 $0x1  }
0x13: {  	[smem:$0x3FB8] =	sst s0;
	s0 =	simm.s32 @!p1 $0x0  }
0x14: {  	s2 =	sld [smem:$0x3F9C];
	s0 =	simm.s32 @p1 $0x1  }
0x15: {  	[smem:$0x3FB9] =	sst s0;
	s0 =	simm.s32 @!p2 $0x0  }
0x16: {  	s3 =	sld [smem:$0x3FDB];
	s0 =	simm.s32 @p2 $0x1  }
0x17: {  	s4 =	simm.s32 $0x1BF5;
	[smem:$0x3FBB] =	sst s0  }
0x18: {  	s0 =	sld [smem:$0x3F9E];
	_ =	swait.ge [sflag:s4], $0x0  }
0x19: {  	s7 =	sld [smem:$0x3F9F]  }
0x1a: {  	s8 =	sadd.s32 $0xFFFFE003, lr  }
0x1b: {  	s9 =	sadd.s32 $0xFFFFFEF7, lr;
	s5 =	simm.s32 $0xFFFFFFFF;
	p2 =	slt.u32 s8, $0xFFFFF086  }
0x1c: {  	p1 =	slt.u32 s9, $0xF7A;
	s5 =	simm.s32 @!p2 $0x0  }
0x1d: {  	s5 =	simm.s32 @p1 $0x1;
	p0 =	seq.s32 s7, s2  }
0x1e: {  	s7 =	smul.u32 @!p0 $0xF7A, s2;
	p2 =	seq.s32 @!p0 s5, $0x0  }
0x1f: {  	s9 =	smul.u32 $0xF7A, s1;
	s8 =	simm.s32 @!p0 $0x1BF5;
	p2 =	por !p2, p0  }
0x20: {  	[sflag:s8] =	ssyncset.s32 @!p0 $0xFFFFF086;
	s6 =	sadd.s32 @!p0 s3, s7;
	s7 =	simm.s32 @!p0 $0x108  }
0x21: {  	s3 =	sadd.s32 s3, s9;
	s6 =	sadd.s32 @!p0 $0x88, s6;
	s7 =	simm.s32 @p2 $0x1082  }
0x22: {  	[simem:s7], [sflag:s8] =	dma.local @!p0 [hbm:s6], $0xF7A  }
0x23: {  	s9 =	sor.u32 $0xD0000000, s2;
	s6 =	simm.s32 $0x108;
	_ =	swait.ge @!p0 [sflag:s8], $0x0  }
0x24: {  	s3 =	sadd.s32 $0x88, s3;
	s6 =	simm.s32 @!p1 $0x1082;
	[sflag:s4] =	ssyncset.s32 $0xFFFFF086  }
0x25: {  	[simem:s6], [sflag:s4] =	dma.local [hbm:s3], $0xF7A  }
0x26: {  	[smem:$0x3F9F] =	sst s1;
	(tag) =	ssettag s2;
	_ =	strace s9  }
0x27: {  	s1 =	sld [smem:$0x3FAF]  }
0x28: {  	s2 =	sld [smem:$0x3FB0]  }
0x29: {  	s4 =	sld [smem:$0x3FB2]  }
0x2a: {  	p0 =	seq.s32 s5, $0x0;
	s5 =	sld [smem:$0x3FB3]  }
0x2b: {  	s6 =	sld [smem:$0x3FB4]  }
0x2c: {  	s7 =	sld [smem:$0x3FB5]  }
0x2d: {  	s3 =	simm.s32 $0x108;
	s8 =	sld [smem:$0x3FB6]  }
0x2e: {  	s3 =	simm.s32 @!p0 $0x1082;
	s9 =	sld [smem:$0x3FB7]  }
0x2f: {  	lr =	sadd.s32 s0, s3;
	s0 =	sld [smem:$0x3FAE]  }
0x30: {  	s3 =	sld [smem:$0x3FB1]  }
0x31: {  	[smem:$0x3FBA] =	sst s10  }
0x32: {  	s10 =	sld [smem:$0x3FB8];
	_ =	sdelay $0x3  }
0x33: {  	p0 =	seq.s32 s10, $0x1;
	s10 =	sld [smem:$0x3FBA];
	_ =	sdelay $0x3  }
0x34: {  	[smem:$0x3FBA] =	sst s10  }
0x35: {  	s10 =	sld [smem:$0x3FB9];
	_ =	sdelay $0x3  }
0x36: {  	p1 =	seq.s32 s10, $0x1;
	s10 =	sld [smem:$0x3FBA];
	_ =	sdelay $0x3  }
0x37: {  	[smem:$0x3FBA] =	sst s10  }
0x38: {  	s10 =	sld [smem:$0x3FBB]  }
0x39: {  	_ = 	snop;
	(pc) =	sbr.ind lr, $3  }
0x3a: {  	_ = 	snop  }
0x3b: {  	_ = 	snop  }
0x3c: {  	p2 =	seq.s32 s10, $0x1;
	s10 =	sld [smem:$0x3FBA]  }
0x3d: {  	_ =	shalt  }
0x3e: {  	_ =	shalt  }
0x3f: {  	_ =	shalt  }
0x40: {  	_ =	shalt  }
0x41: {  	_ =	shalt  }
0x42: {  	_ =	shalt  }
0x43: {  	_ =	shalt  }
0x44: {  	_ =	shalt  }
0x45: {  	_ =	shalt  }
0x46: {  	_ =	shalt  }
0x47: {  	_ =	shalt  }
0x48: {  	_ =	shalt  }
0x49: {  	_ =	shalt  }
0x4a: {  	_ =	shalt  }
0x4b: {  	_ =	shalt  }
0x4c: {  	_ =	shalt  }
0x4d: {  	_ =	shalt  }
0x4e: {  	_ =	shalt  }
0x4f: {  	_ =	shalt  }
0x50: {  	_ =	shalt  }
0x51: {  	_ =	shalt  }
0x52: {  	_ =	shalt  }
0x53: {  	_ =	shalt  }
0x54: {  	_ =	shalt  }
0x55: {  	_ =	shalt  }
0x56: {  	_ =	shalt  }
0x57: {  	_ =	shalt  }
0x58: {  	_ =	shalt  }
0x59: {  	_ =	shalt  }
0x5a: {  	_ =	shalt  }
0x5b: {  	_ =	shalt  }
0x5c: {  	_ =	shalt  }
0x5d: {  	_ =	shalt  }
0x5e: {  	_ =	shalt  }
0x5f: {  	_ =	shalt  }
0x60: {  	_ =	shalt  }
0x61: {  	_ =	shalt  }
0x62: {  	_ =	shalt  }
0x63: {  	_ =	shalt  }
0x64: {  	_ =	shalt  }
0x65: {  	_ =	shalt  }
0x66: {  	_ =	shalt  }
0x67: {  	_ =	shalt  }
0x68: {  	_ =	shalt  }
0x69: {  	_ =	shalt  }
0x6a: {  	_ =	shalt  }
0x6b: {  	_ =	shalt  }
0x6c: {  	_ =	shalt  }
0x6d: {  	_ =	shalt  }
0x6e: {  	_ =	shalt  }
0x6f: {  	_ =	shalt  }
0x70: {  	_ =	shalt  }
0x71: {  	_ =	shalt  }
0x72: {  	_ =	shalt  }
0x73: {  	_ =	shalt  }
0x74: {  	_ =	shalt  }
0x75: {  	_ =	shalt  }
0x76: {  	_ =	shalt  }
0x77: {  	_ =	shalt  }
0x78: {  	_ =	shalt  }
0x79: {  	_ =	shalt  }
0x7a: {  	_ =	shalt  }
0x7b: {  	_ =	shalt  }
0x7c: {  	_ =	shalt  }
0x7d: {  	_ =	shalt  }
0x7e: {  	_ =	shalt  }
0x7f: {  	_ =	shalt  }
0x80: {  	_ =	shalt  }
0x81: {  	_ =	shalt  }
0x82: {  	_ =	shalt  }
0x83: {  	_ =	shalt  }
0x84: {  	_ =	shalt  }
0x85: {  	_ =	shalt  }
0x86: {  	_ =	shalt  }
0x87: {  	_ =	shalt  }
.Lfunc_end0:
.L_simem_size_0:
called_computation_lowered:
.L_overlay_start_0:
0x88: {  	s2 =	sld [smem:$0x3FD9]  }
0x89: {  	s3 =	sld [smem:$0x3FFE];
	_ =	sdelay $0x1  }
0x8a: {  	s1 =	srdreg.scid  }
0x8b: {  	s0 =	sand.u32 $0x1, s1  }
0x8c: {  	s17 =	sshll.u32 s0, $0xA;
	s2 =	sadd.s32 s3, s2  }
0x8d: {  	s2 =	sadd.s32 s2, s17  }
0x8e: {  	[smem:$0x3FC6] =	sst s2  }
0x8f: {  	_ = 	snop  }
0x90: {  	s2 =	sld [smem:$0x3FC9]  }
0x91: {  	s18 =	sld [smem:$0x3FD0];
	(tm) =	ssettm $0x1  }
0x92: {  	s4 =	sld [smem:$0x3FFB];
	_ =	sdelay $0x3  }
0x93: {  	_ =	strace s4  }
0x94: {  	s4 =	sld [smem:$0x3FFC];
	_ =	sdelay $0x3  }
0x95: {  	_ =	strace s4  }
0x96: {  	s4 =	sld [smem:$0x3FFD];
	_ =	sdelay $0x3  }
0x97: {  	_ =	strace s4  }
0x98: {  	_ =	strace $0x8FFFFFFF  }
0x99: {  	s19 =	sld [smem:$0x3FDB];
	_ =	sdelay $0x1  }
0x9a: {  	s5 =	simm.s32 $_scs_section_size  }
0x9b: {  	s6 =	simm.s32 $_size__tile_overlayer_lowered;
	s7 =	simm.s32 $_tile_overlayer_lowered  }
0x9c: {  	s22 =	simm.s32 $0x1BFF;
	s21 =	sshll.u32 s7, $0x1;
	s4 =	sadd.s32 s5, s19  }
0x9d: {  	s8 =	simm.s32 $0x0;
	s20 =	sshll.u32 s6, $0x1;
	s6 =	sadd.s32 s21, s4  }
0x9e: {  	[timem:s8], [sflag:s22] =	dma.local [hbm:s6], s20  }
0x9f: {  	_ =	swait.ge [sflag:s22], s20  }
0xa0: {  	s5 =	ssub.s32 $0x0, s20;
	[sflag:s22] =	ssyncset.done $0x0  }
0xa1: {  	[sflag:s22] =	ssyncadd.s32 s5;
	_ =	sdelay $0x1  }
0xa2: {  	s23 =	simm.s32 $0x1B8B  }
0xa3: {  	_ =	swait.ge [sflag:s23], $0x1  }
0xa4: {  	[sflag:s23] =	ssyncset.done $0x0  }
0xa5: {  	s25 =	simm.s32 $0x1B8E;
	s24 =	sld [smem:$0x3FFE];
	[sflag:s23] =	ssyncadd.s32 $0xFFFFFFFF  }
0xa6: {  	s26 =	simm.s32 $execute0_lowered;
	[smem:$0x3FD2] =	sst s25  }
0xa7: {  	s6 =	sshll.u32 s26, $0x1;
	_ =	strace $0x80000046;
	[dreg:$0x1] =	wrdreg $0xFFFFFFFF  }
0xa8: {  	s28 =	simm.s32 $_size_execute0_lowered;
	s4 =	sadd.s32 s4, s6;
	[dreg:$0x0] =	wrdreg $0x0  }
0xa9: {  	s6 =	sshll.u32 s28, $0x1;
	[dreg:$0x2] =	wrdreg s4  }
0xaa: {  	[dreg:$0x3] =	wrdreg s6  }
0xab: {  	[dreg:$0x4] =	wrdreg $0xC0  }
0xac: {  	_ =	task [dreg:s8], $0x5FFFF  }
0xad: {  	[dreg:$0x1] =	wrdreg $0xFFFFFFFF  }
0xae: {  	[dreg:$0x0] =	wrdreg $0x60  }
0xaf: {  	[dreg:$0x2] =	wrdreg s2  }
0xb0: {  	[dreg:$0x3] =	wrdreg s18  }
0xb1: {  	[dreg:$0x4] =	wrdreg s24  }
0xb2: {  	[dreg:$0x5] =	wrdreg $0x0  }
0xb3: {  	[dreg:$0x6] =	wrdreg $0x9  }
0xb4: {  	_ =	task.clear_ibuf [dreg:s8], $0x7FFFF;
	_ =	strace $0x90000046  }
0xb5: {  	s29 =	simm.s32 $0x9;
	_ =	strace $0x80000048  }
0xb6: {  	_ =	swait.ge [sflag:s29], $0x1  }
0xb7: {  	[sflag:s29] =	ssyncadd.s32 $0xFFFFFFFF  }
0xb8: {  	_ =	strace $0x90000048  }
0xb9: {  	_ =	sfence  }
0xba: {  	s30 =	sld [smem:$0x0];
	_ =	sdelay $0x2  }
0xbb: {  	s31 =	sshll.u32 s1, $0xD;
	s1 =	sshrl.u32 s1, $0x2  }
0xbc: {  	s3 =	sand.u32 $0x4000, s31;
	s1 =	sadd.s32 s1, s30  }
0xbd: {  	s0 =	sor.u32 s3, s0;
	s1 =	sshll.u32 s1, $0x11  }
0xbe: {  	s0 =	sor.u32 s1, s0  }
0xbf: {  	s0 =	sadd.s32 $0x8F2B, s0  }
0xc0: {  	[sflag:s0] =	ssyncadd.remote.s32 $0x1  }
0xc1: {  	_ =	sfence.sel $0xFFFF  }
0xc2: {  	[dreg:$0x0] =	wrdreg $0xFFFFFFFF;
	(pc) =	sbr.abs _section_cstart, $3  }
0xc3: {  	[dreg:$0x1] =	wrdreg $0xFFFFFFFF  }
0xc4: {  	_ =	task.clear_ibuf [dreg:s8], $0x2FFFF;
	_ =	strace $0x9FFFFFFF  }
0xc5: {  	(tm) =	ssettm $0x7FFFFFFF  }
tec
execute0_lowered:
.L_overlay_start_1:
0x0: {  	(tag) =	ssettag $0x1  }
0x1: {  	s4 =	rddreg [dreg:$0x0]  }
0x2: {  	s1 =	rddreg [dreg:$0x1]  }
0x3: {  	s0 =	srdreg.scid;
	s19 =	rddreg [dreg:$0x2]  }
0x4: {  	s21 =	stileid.u32;
	s2 =	rddreg [dreg:$0x3];
	s31 =	simm.s32 $0x1FD00  }
0x5: {  	s5 =	sand.u32 $0x1, s0;
	s9 =	sadd.s32 $0x200, s19;
	s13 =	smul.u32 $0x13C00, s21  }
0x6: {  	s3 =	sshll.u32 s5, $0x4;
	s7 =	ssub.s32 $0x2, s5;
	s23 =	smul.u32 $0x13C000, s5  }
0x7: {  	s5 =	smul.u32 $0x27100, s5;
	s6 =	sor.u32 s21, s3;
	s3 =	simm.s32 $0x0  }
0x8: {  	s20 =	sshrl.u32 s7, $0x1;
	s15 =	sadd.s32 $0x8000, s13;
	s18 =	sadd.s32 $0xC000, s13  }
0x9: {  	s19 =	sadd.s32 $0x10000, s13;
	s8 =	smul.u32 $0x2710, s6;
	[smem:$0x7FF] =	sst s3  }
0xa: {  	s0 =	ssub.s32 s7, s20;
	s6 =	smul.u32 $0x4E200, s6;
	s17 =	sadd.s32 s23, s15  }
0xb: {  	s20 =	smul.u32 $0x2710, s21;
	s28 =	sadd.s32 s15, s2;
	s29 =	sadd.s32 s18, s2  }
0xc: {  	s30 =	sadd.s32 s19, s2;
	s17 =	sshrl.u32 s17, $0x3;
	s0 =	smax.u32 s0, $0x1  }
0xd: {  	s7 =	sadd.s32 $0x80, s8;
	s10 =	sadd.s32 $0x100, s8;
	s25 =	sadd.s32 $0x2700, s8  }
0xe: {  	s26 =	sadd.s32 s9, s17;
	s5 =	sadd.s32 s20, s5;
	s6 =	sadd.s32 s4, s6  }
0xf: {  	s11 =	sshll.u32 s7, $0x5;
	s12 =	sshll.u32 s10, $0x5;
	[dreg:$0x9] =	wrdreg s26  }
0x10: {  	s14 =	sshll.u32 s25, $0x5;
	s26 =	sadd.s32 $0x280, s5;
	[dreg:$0xc] =	wrdreg s6  }
0x11: {  	s6 =	sadd.s32 $0x200, s5;
	s11 =	sadd.s32 s4, s11;
	s22 =	sadd.s32 s4, s12  }
0x12: {  	s12 =	sadd.s32 $0x4000, s13;
	s13 =	sadd.s32 s13, s23;
	[dreg:$0x5] =	wrdreg s11  }
0x13: {  	s17 =	sshll.u32 s26, $0x5;
	s20 =	sadd.s32 s4, s14;
	[dreg:$0x6] =	wrdreg s22  }
0x14: {  	s13 =	sshrl.u32 s13, $0x3;
	s16 =	sadd.s32 s23, s12;
	s11 =	sadd.s32 s23, s19  }
0x15: {  	[dreg:$0xd] =	wrdreg s20;
	s14 =	sadd.s32 s17, s4;
	s22 =	sadd.s32 $0x180, s5  }
0x16: {  	s19 =	sshrl.u32 s8, $0x3;
	s20 =	sshrl.u32 s25, $0x3;
	s8 =	simm.s32 $0x4  }
0x17: {  	s16 =	sshrl.u32 s16, $0x3;
	s13 =	sadd.s32 s9, s13;
	[dreg:$0xe] =	wrdreg s22  }
0x18: {  	s11 =	sshrl.u32 s11, $0x3;
	[dreg:$0x7] =	wrdreg s13;
	s24 =	sadd.s32 s9, s16  }
0x19: {  	s16 =	sadd.s32 s23, s18;
	s23 =	smul.u32 $0x4F000, s21;
	s18 =	simm.s32 $0x0  }
0x1a: {  	[dreg:$0x8] =	wrdreg s24;
	s13 =	sshrl.u32 s16, $0x3;
	s24 =	sshll.u32 s6, $0x5  }
0x1b: {  	s13 =	sadd.s32 s9, s13;
	s9 =	sadd.s32 s9, s11;
	s11 =	sshll.u32 s22, $0x5  }
0x1c: {  	s16 =	sadd.s32 s24, s4;
	s5 =	sshrl.u32 s23, $0x2;
	s22 =	sadd.s32 s12, s2  }
0x1d: {  	s23 =	sadd.s32 s1, s20;
	s24 =	sshrl.u32 s26, $0x3;
	[dreg:$0xa] =	wrdreg s13  }
0x1e: {  	s26 =	sshrl.u32 s6, $0x3;
	s6 =	simm.s32 $0x7;
	[dreg:$0xb] =	wrdreg s9  }
0x1f: {  	s12 =	simm.s32 $0x6;
	_ =	strace $0x80000047;
	[dreg:$0x15] =	wrdreg s23  }
0x20: {  	s17 =	sadd.s32 s11, s4;
	s25 =	sadd.s32 s24, s1;
	[dreg:$0x16] =	wrdreg s0  }
0x21: {  	s9 =	sshrl.u32 s7, $0x3;
	s11 =	sshrl.u32 s10, $0x3;
	[dreg:$0x17] =	wrdreg s25  }
0x22: {  	s21 =	sadd.s32 s5, s2;
	s5 =	simm.s32 $0x13C00;
	[dreg:$0x11] =	wrdreg s28  }
0x23: {  	s7 =	simm.s32 $0x1FC00;
	s10 =	simm.s32 $0x8;
	[dreg:$0x12] =	wrdreg s29  }
.Ltmp0:
0x24: {  	s4 =	sadd.s32 s1, s9;
	[dreg:$0x13] =	wrdreg s30;
	(pc) =	sbr.rel .LBB2_1-.Ltmp0, $4  }
0x25: {  	s13 =	sadd.s32 s1, s11;
	s0 =	sadd.s32 s26, s1;
	[dreg:$0xf] =	wrdreg s4  }
0x26: {  	s11 =	simm.s32 $0x80;
	s9 =	simm.s32 $0x1;
	[dreg:$0x10] =	wrdreg s13  }
0x27: {  	s4 =	sadd.s32 s1, s19;
	[dreg:$0x18] =	wrdreg s0;
	s0 =	simm.s32 $0x100  }
0x28: {  	v0 =	vimm.f32 $0.0e+00;
	s13 =	simm.s32 $0x3;
	[dreg:$0x14] =	wrdreg s4;
	s4 =	simm.s32 $0x1BC00  }
.LBB2_6:
0x29: {  	s15 =	rddreg [dreg:$0x15];
	s19 =	simm.s32 $0x1FD80  }
0x2a: {  	[tilespmem:s19], [sflag:$0x8] =	stream.linear.gather [hbm4b:s15+s3], $0x10, $0x38;
	[tilespmem:$0x1FE00] =	vst v63  }
0x2b: {  	_ =	swait.ge [sflag:s10], $0x10  }
0x2c: {  	[sflag:s10] =	ssyncset.done $0x0  }
0x2d: {  	s20 =	rddreg [dreg:$0xd];
	[sflag:s10] =	ssyncadd.s32 $0xFFFFFFF0  }
0x2e: {  	[tilespmem:s5], [sflag:$0x8] =	stream.strided.gather [hbm4b:s20+s11], $0x800, s0, s11, $0x38;
	[tilespmem:$0x1FE00] =	vst v63  }
0x2f: {  	_ =	swait.ge [sflag:s10], $0x800  }
0x30: {  	[sflag:s10] =	ssyncset.done $0x0  }
0x31: {  	s21 =	simm.s32 $0x10;
	[sflag:s10] =	ssyncadd.s32 $0xFFFFF800  }
0x32: {  	[spmem:s2] =	stream.indirect.scatter.add.f32 [tilespmem:s5], [sflag:$0x8], $0x80, s19, s21, $0xb8;
	[tilespmem:$0x1FE00] =	vst v63  }
0x33: {  	_ =	swait.ge [sflag:s10], $0x800  }
0x34: {  	[sflag:s10] =	ssyncset.done $0x0  }
0x35: {  	s22 =	stileid.u32;
	[sflag:s10] =	ssyncadd.s32 $0xFFFFF800  }
0x36: {  	s15 =	sshll.u32 s22, $0x6;
	[bflag:$0x0] =	sbarrier.arrive $0xFFFF  }
0x37: {  	s25 =	sshrl.u32 s23, $0x3;
	s15 =	sor.u32 $0x1C07, s15;
	s20 =	rddreg [dreg:$0x7]  }
0x38: {  	[hbm:s20], [sflag:s15] =	dma.local [spmem:s25], $0x800  }
0x39: {  	s26 =	sshrl.u32 s24, $0x3;
	s20 =	rddreg [dreg:$0x8]  }
0x3a: {  	[hbm:s20], [sflag:s15] =	dma.local [spmem:s26], $0x800  }
0x3b: {  	s28 =	rddreg [dreg:$0x11]  }
0x3c: {  	s21 =	smov.u32 s23;
	s20 =	rddreg [dreg:$0x9];
	s23 =	sshrl.u32 s28, $0x3  }
0x3d: {  	[hbm:s20], [sflag:s15] =	dma.local [spmem:s23], $0x800  }
0x3e: {  	s29 =	rddreg [dreg:$0x12]  }
0x3f: {  	s22 =	smov.u32 s24;
	s20 =	rddreg [dreg:$0xa];
	s24 =	sshrl.u32 s29, $0x3  }
0x40: {  	[hbm:s20], [sflag:s15] =	dma.local [spmem:s24], $0x800  }
0x41: {  	s30 =	rddreg [dreg:$0x13]  }
0x42: {  	s20 =	rddreg [dreg:$0xb];
	s25 =	sshrl.u32 s30, $0x3  }
0x43: {  	[hbm:s20], [sflag:s15] =	dma.local [spmem:s25], $0x780  }
0x44: {  	_ =	swait.ge [sflag:s6], $0x800  }
0x45: {  	[sflag:s6] =	ssyncset.done $0x0  }
0x46: {  	[sflag:s6] =	ssyncadd.s32 $0xFFFFF800  }
0x47: {  	_ =	swait.ge [sflag:s6], $0x800  }
0x48: {  	[sflag:s6] =	ssyncset.done $0x0  }
0x49: {  	[sflag:s6] =	ssyncadd.s32 $0xFFFFF800  }
0x4a: {  	_ =	swait.ge [sflag:s6], $0x800  }
0x4b: {  	[sflag:s6] =	ssyncset.done $0x0  }
0x4c: {  	[sflag:s6] =	ssyncadd.s32 $0xFFFFF800  }
0x4d: {  	_ =	swait.ge [sflag:s6], $0x800  }
0x4e: {  	[sflag:s6] =	ssyncset.done $0x0  }
0x4f: {  	[sflag:s6] =	ssyncadd.s32 $0xFFFFF800  }
0x50: {  	_ =	swait.ge [sflag:s6], $0x780  }
0x51: {  	s18 =	sadd.s32 $0x1, s18;
	s26 =	rddreg [dreg:$0x16]  }
0x52: {  	p0 =	sne.s32 s18, s26  }
.Ltmp1:
0x53: {  	_ = 	snop;
	(pc) =	sbr.rel @!p0 .LBB2_7-.Ltmp1, $3  }
0x54: {  	_ =	sdelay $0x1  }
0x55: {  	[sflag:s6] =	ssyncset.done $0x0  }
0x56: {  	[sflag:s6] =	ssyncadd.s32 $0xFFFFF880  }
.LBB2_1:
0x57: {  	s15 =	rddreg [dreg:$0xf];
	s19 =	simm.s32 $0x1FC80  }
0x58: {  	[tilespmem:s19], [sflag:$0x5] =	stream.linear.gather [hbm4b:s15+s3], $0x80, $0x38;
	[tilespmem:$0x1FE00] =	vst v63  }
0x59: {  	s23 =	rddreg [dreg:$0x5];
	s24 =	simm.s32 $0x17C00  }
0x5a: {  	[tilespmem:s24], [sflag:$0x2] =	stream.strided.gather [hbm4b:s23+s11], $0x4000, s0, s11, $0x38;
	[tilespmem:$0x1FE00] =	vst v63  }
0x5b: {  	s25 =	rddreg [dreg:$0x10]  }
0x5c: {  	[tilespmem:s31], [sflag:$0x6] =	stream.linear.gather [hbm4b:s25+s3], $0x80, $0x38;
	[tilespmem:$0x1FE00] =	vst v63  }
0x5d: {  	s26 =	rddreg [dreg:$0x6];
	s19 =	simm.s32 $0x0;
	s25 =	simm.s32 $0x200  }
0x5e: {  	[tilespmem:s4], [sflag:$0x3] =	stream.strided.gather [hbm4b:s26+s11], $0x4000, s0, s11, $0x38;
	[tilespmem:$0x1FE00] =	vst v63  }
.LBB2_2:
0x5f: {  	p0 =	sne.s32 s25, $0xFE00;
	[tilespmem:s19+$0x13C70] =	vst v0  }
0x60: {  	[tilespmem:s19+$0x13C00] =	vst v0  }
0x61: {  	[tilespmem:s19+$0x13C10] =	vst v0  }
.Ltmp2:
0x62: {  	[tilespmem:s19+$0x13C20] =	vst v0;
	(pc) =	sbr.rel @p0 .LBB2_2-.Ltmp2, $4  }
0x63: {  	[tilespmem:s19+$0x13C30] =	vst v0  }
0x64: {  	[tilespmem:s19+$0x13C40] =	vst v0  }
0x65: {  	[tilespmem:s19+$0x13C50] =	vst v0  }
0x66: {  	[tilespmem:s19+$0x13C60] =	vst v0;
	s19 =	sshra.s32 s25, $0x2;
	s25 =	sadd.s32 $0x200, s25  }
0x67: {  	[tilespmem:s19+$0x13C70] =	vst v0  }
0x68: {  	[tilespmem:s19+$0x13C00] =	vst v0  }
0x69: {  	[tilespmem:s19+$0x13C10] =	vst v0  }
0x6a: {  	[tilespmem:s19+$0x13C20] =	vst v0  }
0x6b: {  	[tilespmem:s19+$0x13C30] =	vst v0  }
0x6c: {  	[tilespmem:s19+$0x13C40] =	vst v0  }
0x6d: {  	[tilespmem:s19+$0x13C50] =	vst v0  }
0x6e: {  	[tilespmem:s19+$0x13C60] =	vst v0  }
0x6f: {  	[spmem:s21] =	stream.linear.scatter [tilespmem:s5], [sflag:$0x7], $0x4000, $0x38;
	[tilespmem:$0x1FE00] =	vst v63  }
0x70: {  	_ = 	snop  }
0x71: {  	[spmem:s22] =	stream.linear.scatter [tilespmem:s5], [sflag:$0x7], $0x4000, $0x38;
	[tilespmem:$0x1FE00] =	vst v63  }
0x72: {  	_ = 	snop  }
0x73: {  	[spmem:s28] =	stream.linear.scatter [tilespmem:s5], [sflag:$0x7], $0x4000, $0x38;
	[tilespmem:$0x1FE00] =	vst v63  }
0x74: {  	_ = 	snop  }
0x75: {  	[spmem:s29] =	stream.linear.scatter [tilespmem:s5], [sflag:$0x7], $0x4000, $0x38;
	[tilespmem:$0x1FE00] =	vst v63  }
0x76: {  	_ = 	snop  }
0x77: {  	[spmem:s30] =	stream.linear.scatter [tilespmem:s5], [sflag:$0x7], $0x3C00, $0x38;
	[tilespmem:$0x1FE00] =	vst v63  }
0x78: {  	_ =	swait.ge [sflag:s6], $0x4000  }
0x79: {  	[sflag:s6] =	ssyncset.done $0x0  }
0x7a: {  	[sflag:s6] =	ssyncadd.s32 $0xFFFFC000  }
0x7b: {  	_ =	swait.ge [sflag:s6], $0x4000  }
0x7c: {  	[sflag:s6] =	ssyncset.done $0x0  }
0x7d: {  	[sflag:s6] =	ssyncadd.s32 $0xFFFFC000  }
0x7e: {  	_ =	swait.ge [sflag:s6], $0x4000  }
0x7f: {  	[sflag:s6] =	ssyncset.done $0x0  }
0x80: {  	[sflag:s6] =	ssyncadd.s32 $0xFFFFC000  }
0x81: {  	_ =	swait.ge [sflag:s6], $0x4000  }
0x82: {  	[sflag:s6] =	ssyncset.done $0x0  }
0x83: {  	[sflag:s6] =	ssyncadd.s32 $0xFFFFC000  }
0x84: {  	_ =	swait.ge [sflag:s6], $0x3C00  }
0x85: {  	[sflag:s6] =	ssyncset.done $0x0  }
0x86: {  	s19 =	simm.s32 $0x0;
	s15 =	rddreg [dreg:$0x14];
	[sflag:s6] =	ssyncadd.s32 $0xFFFFC400  }
0x87: {  	[tilespmem:s7], [sflag:$0x4] =	stream.linear.gather [hbm4b:s15+s19], $0x80, $0x38;
	[tilespmem:$0x1FE00] =	vst v63  }
0x88: {  	s28 =	rddreg [dreg:$0xc]  }
0x89: {  	[tilespmem:s5], [sflag:$0x1] =	stream.strided.gather [hbm4b:s28+s11], $0x4000, s0, s11, $0x38;
	[tilespmem:$0x1FE00] =	vst v63  }
0x8a: {  	[bflag:$0x0] =	sbarrier.arrive $0xFFFF  }
0x8b: {  	s25 =	rddreg [dreg:$0xe]  }
0x8c: {  	s30 =	rddreg [dreg:$0x18]  }
0x8d: {  	s23 =	smov.u32 s21;
	s24 =	smov.u32 s22;
	s29 =	rddreg [dreg:$0x17]  }
.LBB2_4:
0x8e: {  	_ =	swait.ge [sflag:s8], $0x80  }
0x8f: {  	[sflag:s8] =	ssyncset.done $0x0  }
0x90: {  	[sflag:s8] =	ssyncadd.s32 $0xFFFFFF80  }
0x91: {  	_ =	swait.ge [sflag:s9], $0x4000  }
0x92: {  	[sflag:s9] =	ssyncset.done $0x0  }
0x93: {  	[sflag:s9] =	ssyncadd.s32 $0xFFFFC000  }
0x94: {  	[spmem:s2] =	stream.indirect.scatter.add.f32 [tilespmem:s5], [sflag:$0x8], $0x80, s7, s11, $0xb8;
	[tilespmem:$0x1FE00] =	vst v63  }
0x95: {  	_ =	swait.ge [sflag:s10], $0x4000  }
0x96: {  	p0 =	seq.s32 s19, $0x4B000;
	[sflag:s10] =	ssyncset.done $0x0  }
0x97: {  	s28 =	simm.s32 @p0 $0x5;
	[sflag:s10] =	ssyncadd.s32 $0xFFFFC000  }
0x98: {  	_ =	swait.ge @p0 [sflag:s28], $0x80  }
0x99: {  	[sflag:s28] =	ssyncset.done @p0 $0x0  }
0x9a: {  	[sflag:s28] =	ssyncadd.s32 @p0 $0xFFFFFF80;
	s28 =	simm.s32 @p0 $0x2  }
0x9b: {  	_ =	swait.ge @p0 [sflag:s28], $0x4000  }
0x9c: {  	s26 =	simm.s32 @p0 $0x1FC80;
	[sflag:s28] =	ssyncset.done @p0 $0x0  }
0x9d: {  	s15 =	simm.s32 @p0 $0x17C00;
	[sflag:s28] =	ssyncadd.s32 @p0 $0xFFFFC000;
	s28 =	simm.s32 @p0 $0x80  }
0x9e: {  	[spmem:s2] =	stream.indirect.scatter.add.f32 @p0 [tilespmem:s15], [sflag:$0x8], $0x80, s26, s28, $0xb8;
	[tilespmem:$0x1FE00] =	vst v63  }
0x9f: {  	s15 =	simm.s32 @p0 $0x8  }
0xa0: {  	_ =	swait.ge @p0 [sflag:s15], $0x4000  }
0xa1: {  	[sflag:s15] =	ssyncset.done @p0 $0x0  }
0xa2: {  	s20 =	simm.s32 @!p0 $0x100;
	[sflag:s15] =	ssyncadd.s32 @p0 $0xFFFFC000;
	s15 =	sshrl.u32 @!p0 s25, $0x3  }
0xa3: {  	s26 =	simm.s32 @!p0 $0x0;
	s28 =	simm.s32 @!p0 $0x1FC00;
	s15 =	sadd.s32 @!p0 s1, s15  }
0xa4: {  	[tilespmem:s28], [sflag:$0x4] =	stream.linear.gather @!p0 [hbm4b:s15+s26], $0x80, $0x38;
	[tilespmem:$0x1FE00] =	vst v63  }
0xa5: {  	s21 =	simm.s32 @!p0 $0x13C00;
	s15 =	sadd.s32 @!p0 s19, s17;
	s28 =	simm.s32 @!p0 $0x80  }
0xa6: {  	[tilespmem:s21], [sflag:$0x1] =	stream.strided.gather @!p0 [hbm4b:s15+s28], $0x4000, s20, s28, $0x38;
	[tilespmem:$0x1FE00] =	vst v63  }
0xa7: {  	s15 =	simm.s32 @!p0 $0x5  }
0xa8: {  	_ =	swait.ge @!p0 [sflag:s15], $0x80  }
0xa9: {  	[sflag:s15] =	ssyncset.done @!p0 $0x0  }
0xaa: {  	[sflag:s15] =	ssyncadd.s32 @!p0 $0xFFFFFF80;
	s15 =	simm.s32 @!p0 $0x2  }
0xab: {  	_ =	swait.ge @!p0 [sflag:s15], $0x4000  }
0xac: {  	s22 =	simm.s32 @!p0 $0x8;
	[sflag:s15] =	ssyncset.done @!p0 $0x0  }
0xad: {  	s21 =	simm.s32 @!p0 $0x17C00;
	[sflag:s15] =	ssyncadd.s32 @!p0 $0xFFFFC000;
	s15 =	simm.s32 @!p0 $0x1FC80  }
0xae: {  	[spmem:s2] =	stream.indirect.scatter.add.f32 @!p0 [tilespmem:s21], [sflag:$0x8], $0x80, s15, s28, $0xb8;
	[tilespmem:$0x1FE00] =	vst v63  }
0xaf: {  	_ =	swait.ge @!p0 [sflag:s22], $0x4000  }
0xb0: {  	[sflag:s22] =	ssyncset.done @!p0 $0x0  }
0xb1: {  	[sflag:s22] =	ssyncadd.s32 @!p0 $0xFFFFC000  }
0xb2: {  	[tilespmem:s15], [sflag:$0x5] =	stream.linear.gather @!p0 [hbm4b:s30+s26], $0x80, $0x38;
	[tilespmem:$0x1FE00] =	vst v63  }
0xb3: {  	s15 =	sadd.s32 @!p0 s19, s16  }
0xb4: {  	[tilespmem:s21], [sflag:$0x2] =	stream.strided.gather @!p0 [hbm4b:s15+s28], $0x4000, s20, s28, $0x38;
	[tilespmem:$0x1FE00] =	vst v63  }
0xb5: {  	_ =	swait.ge [sflag:s12], $0x80  }
0xb6: {  	[sflag:s12] =	ssyncset.done $0x0  }
0xb7: {  	[sflag:s12] =	ssyncadd.s32 $0xFFFFFF80  }
0xb8: {  	_ =	swait.ge [sflag:s13], $0x4000  }
0xb9: {  	[sflag:s13] =	ssyncset.done $0x0  }
.Ltmp3:
0xba: {  	[sflag:s13] =	ssyncadd.s32 $0xFFFFC000;
	(pc) =	sbr.rel @p0 .LBB2_6-.Ltmp3, $4  }
0xbb: {  	[spmem:s2] =	stream.indirect.scatter.add.f32 [tilespmem:s4], [sflag:$0x8], $0x80, s31, s11, $0xb8;
	[tilespmem:$0x1FE00] =	vst v63  }
0xbc: {  	_ =	swait.ge [sflag:s10], $0x4000  }
0xbd: {  	[sflag:s10] =	ssyncset.done $0x0  }
0xbe: {  	[sflag:s10] =	ssyncadd.s32 $0xFFFFC000  }
.Ltmp4:
0xbf: {  	(pc) =	sbr.rel .LBB2_4-.Ltmp4, $4  }
0xc0: {  	[tilespmem:s31], [sflag:$0x6] =	stream.linear.gather [hbm4b:s29+s3], $0x80, $0x38;
	[tilespmem:$0x1FE00] =	vst v63  }
0xc1: {  	s15 =	sadd.s32 s19, s14;
	s19 =	sadd.s32 $0x3000, s19  }
0xc2: {  	s29 =	sadd.s32 $0x30, s29;
	s30 =	sadd.s32 $0x30, s30;
	s25 =	sadd.s32 $0x180, s25  }
0xc3: {  	[tilespmem:s4], [sflag:$0x3] =	stream.strided.gather [hbm4b:s15+s11], $0x4000, s0, s11, $0x38;
	[tilespmem:$0x1FE00] =	vst v63  }
.LBB2_7:
0xc4: {  	_ =	sfence.sel $0x180000  }
0xc5: {  	[bflag:$0x0] =	sbarrier.arrive $0xFFFF  }
0xc6: {  	_ =	strace $0x90000047  }
0xc7: {  	s0 =	stileid.u32;
	[bflag:$0x2] =	sbarrier.arrive $0xFFFF  }
0xc8: {  	p0 =	sne.s32 s0, $0x0;
	s0 =	rddreg [dreg:$0x4]  }
0xc9: {  	s0 =	sadd.s32 @!p0 $0x100000, s0  }
0xca: {  	[sflag:s0] =	ssyncadd.tile.s32 @!p0 $0x1;
	_ =	shalt  }
.Lfunc_end2:
_tile_overlayer_lowered:
.L_overlay_start_2:
0xcb: {  	(tag) =	ssettag $0x2  }
0xcc: {  	s0 =	rddreg [dreg:$0x0];
	s2 =	stileid.u32  }
0xcd: {  	s1 =	rddreg [dreg:$0x1];
	p0 =	sne.s32 s2, $0x0  }
0xce: {  	s3 =	rddreg [dreg:$0x2];
	[bflag:$0x3] =	sbarrier.arrive $0xFFFF;
	s2 =	simm.s32 @!p0 $0x1C08  }
0xcf: {  	[timem:s3], [sflag:s2] =	dma.local @!p0 [hbm:s0], s1  }
0xd0: {  	s0 =	simm.s32 @!p0 $0x8  }
0xd1: {  	_ =	swait.ge @!p0 [sflag:s0], s1  }
0xd2: {  	s1 =	ssub.s32 @!p0 $0x0, s1;
	[sflag:s0] =	ssyncset.done @!p0 $0x0  }
0xd3: {  	[sflag:s0] =	ssyncadd.s32 @!p0 s1  }
0xd4: {  	[bflag:$0x3] =	sbarrier.arrive $0xFFFF  }
0xd5: {  	_ =	shalt  }

</sc_bundles>
